<compile_context>
chip_gen: v7x
topology: tpu7x:2x2x1
jax: 0.10.2.dev20260603
libtpu: 0.0.44.dev20260713+nightly
codegen_flags: <defaults>
</compile_context>

<pallas_src>
import functools
import math

import jax
import jax.numpy as jnp
from jax import lax
from jax.experimental import pallas as pl
from jax.experimental.pallas import tpu as pltpu
from jax.experimental.pallas import tpu_sc as plsc

_P = 24
_D = 384
_H = 8
_HD = 24
_HC = _H * _HD
_M = 16
_N = _P * _P
_HID = _D * 4
_HM = _H * _M
_L = 16


def _ln(x, g, b):
    mu = jnp.mean(x, axis=1, keepdims=True)
    xc = x - mu
    var = jnp.mean(xc * xc, axis=1, keepdims=True)
    return xc * jax.lax.rsqrt(var + 1e-5) * g + b


def _dot_t(a, b):
    return jax.lax.dot_general(a, b, (((1,), (1,)), ((), ())),
                               preferred_element_type=jnp.float32)


def _dot(a, b):
    return jax.lax.dot_general(a, b, (((1,), (0,)), ((), ())),
                               preferred_element_type=jnp.float32)


def _masks():
    f32 = jnp.float32
    ncol = jax.lax.broadcasted_iota(jnp.int32, (_M, _N), 1)
    mrow = jax.lax.broadcasted_iota(jnp.int32, (_M, _N), 0)
    p1 = ncol // _P
    p2 = ncol - p1 * _P
    mid = (p1 // 6) * 4 + (p2 // 6)
    Amat = jnp.where(mid == mrow, f32(1.0 / 36.0), f32(0.0))
    r0 = jax.lax.broadcasted_iota(jnp.int32, (_HC, _HC), 0)
    c0 = jax.lax.broadcasted_iota(jnp.int32, (_HC, _HC), 1)
    BD = jnp.where(r0 // _HD == c0 // _HD, f32(1.0), f32(0.0))
    rowh = jax.lax.broadcasted_iota(jnp.int32, (_HM, _HC), 0) // _M
    colh = jax.lax.broadcasted_iota(jnp.int32, (_HM, _HC), 1) // _HD
    bmask = jnp.where(rowh == colh, f32(1.0), f32(0.0))
    return Amat, BD, bmask


def _tc1(x_ref, g1_ref, be1_ref, Wf_ref, bf_ref, Wv_ref, bv_ref,
         sa_ref, sb_ref, s_ref, vv_ref, vc_ref):
    f32 = jnp.float32
    Amat, BD, bmask = _masks()
    xb = x_ref[0]
    xn = _ln(xb, g1_ref[...], be1_ref[...])
    xf = _dot_t(xn, Wf_ref[...]) + bf_ref[...]
    vv = _dot_t(xn, Wv_ref[...]) + bv_ref[...]
    cf = _dot(Amat, xf)
    vc = _dot(Amat, vv)
    xnrm = xf * jax.lax.rsqrt(jnp.maximum(_dot(xf * xf, BD), 1e-24))
    cnrm = cf * jax.lax.rsqrt(jnp.maximum(_dot(cf * cf, BD), 1e-24))
    cfs = jnp.concatenate([cnrm] * _H, axis=0) * bmask
    dotp = _dot_t(cfs, xnrm)
    dist = jnp.sqrt(jnp.maximum(2.0 - 2.0 * dotp, 0.0))
    sim = jnp.exp(-dist)
    sraw = sb_ref[0, 0] + sa_ref[0, 0] * sim
    s = jnp.where(sraw >= 0, sraw, 0.2 * sraw)
    s_ref[0] = s
    vv_ref[0] = vv
    vc_ref[0] = vc


def _sc_argmax_kernel(s_hbm, idx_hbm, mxv_hbm, s_v, idx_v, mxv_v):
    nw = 32
    gpw = (16 * _H) // nw
    wid = lax.axis_index("s") * 2 + lax.axis_index("c")
    for gg in range(gpw):
        g = wid * gpw + gg
        pltpu.sync_copy(s_hbm.at[g], s_v)

        def chunk(j, carry):
            sl = pl.ds(j * _L, _L)
            mx = s_v[0, sl]
            mi = jnp.zeros((_L,), jnp.int32)
            for m in range(1, _M):
                sm = s_v[m, sl]
                gt = sm > mx
                mx = jnp.where(gt, sm, mx)
                mi = jnp.where(gt, jnp.full((_L,), m, jnp.int32), mi)
            idx_v[sl] = mi
            mxv_v[sl] = mx
            return carry

        lax.fori_loop(0, _N // _L, chunk, 0)
        pltpu.sync_copy(idx_v, idx_hbm.at[g])
        pltpu.sync_copy(mxv_v, mxv_hbm.at[g])


def _sc_argmax(s):
    G = s.shape[0]
    mesh = plsc.VectorSubcoreMesh(core_axis_name="c", subcore_axis_name="s")
    fn = pl.kernel(
        _sc_argmax_kernel,
        out_type=[
            jax.ShapeDtypeStruct((G, _N), jnp.int32),
            jax.ShapeDtypeStruct((G, _N), jnp.float32),
        ],
        mesh=mesh,
        scratch_types=[
            pltpu.VMEM((_M, _N), jnp.float32),
            pltpu.VMEM((_N,), jnp.int32),
            pltpu.VMEM((_N,), jnp.float32),
        ],
    )
    return fn(s)


def _tc2(x_ref, idx_ref, mxv_ref, vv_ref, vc_ref, g2_ref, be2_ref,
         Wp_ref, bp_ref, W1_ref, b1_ref, W2_ref, b2_ref, o_ref):
    f32 = jnp.float32
    _, _, bmask = _masks()
    xb = x_ref[0]
    vv = vv_ref[0]
    vc = vc_ref[0]
    idx3 = idx_ref[0]
    mxv3 = mxv_ref[0]
    miota = jax.lax.broadcasted_iota(jnp.int32, (_H, _M, _N), 1)
    maskf = jnp.where(miota == idx3[:, None, :], f32(1.0), f32(0.0))
    masked = (maskf * mxv3[:, None, :]).reshape(_HM, _N)
    cnt = jnp.sum(maskf, axis=2).reshape(_HM, 1)
    seg = _dot(masked, vv)
    vcs = jnp.concatenate([vc] * _H, axis=0)
    outs = ((seg + vcs) / (cnt + 1.0)) * bmask
    y = jax.lax.dot_general(masked, outs, (((0,), (0,)), ((), ())),
                            preferred_element_type=f32)
    x1 = xb + _dot_t(y, Wp_ref[...]) + bp_ref[...]
    h = _ln(x1, g2_ref[...], be2_ref[...])
    h = _dot_t(h, W1_ref[...]) + b1_ref[...]
    h = h * 0.5 * (1.0 + jax.lax.erf(h * (1.0 / math.sqrt(2.0))))
    h = _dot_t(h, W2_ref[...]) + b2_ref[...]
    o_ref[0] = x1 + h


@jax.jit
def kernel(x, gamma1, beta1, gamma2, beta2, Wf, bf, Wv, bv, sim_alpha,
           sim_beta, Wproj, bproj, W1, b1, W2, b2):
    B = x.shape[0]
    row = lambda a: a.reshape(1, -1)
    full = lambda shape: pl.BlockSpec(shape, lambda b: (0,) * len(shape))

    args1 = (x, row(gamma1), row(beta1), Wf, row(bf), Wv, row(bv),
             sim_alpha.reshape(1, 1), sim_beta.reshape(1, 1))
    in_specs1 = [pl.BlockSpec((1, _N, _D), lambda b: (b, 0, 0))]
    in_specs1 += [full(a.shape) for a in args1[1:]]
    s, vv, vc = pl.pallas_call(
        _tc1,
        grid=(B,),
        in_specs=in_specs1,
        out_specs=[
            pl.BlockSpec((1, _HM, _N), lambda b: (b, 0, 0)),
            pl.BlockSpec((1, _N, _HC), lambda b: (b, 0, 0)),
            pl.BlockSpec((1, _M, _HC), lambda b: (b, 0, 0)),
        ],
        out_shape=[
            jax.ShapeDtypeStruct((B, _HM, _N), jnp.float32),
            jax.ShapeDtypeStruct((B, _N, _HC), jnp.float32),
            jax.ShapeDtypeStruct((B, _M, _HC), jnp.float32),
        ],
        compiler_params=pltpu.CompilerParams(
            dimension_semantics=("parallel",)),
    )(*args1)

    s4 = s.reshape(B * _H, _M, _N)
    idx, mxv = _sc_argmax(s4)
    idx = idx.reshape(B, _H, _N)
    mxv = mxv.reshape(B, _H, _N)

    args2 = (x, idx, mxv, vv, vc, row(gamma2), row(beta2),
             Wproj, row(bproj), W1, row(b1), W2, row(b2))
    in_specs2 = [
        pl.BlockSpec((1, _N, _D), lambda b: (b, 0, 0)),
        pl.BlockSpec((1, _H, _N), lambda b: (b, 0, 0)),
        pl.BlockSpec((1, _H, _N), lambda b: (b, 0, 0)),
        pl.BlockSpec((1, _N, _HC), lambda b: (b, 0, 0)),
        pl.BlockSpec((1, _M, _HC), lambda b: (b, 0, 0)),
    ]
    in_specs2 += [full(a.shape) for a in args2[5:]]
    return pl.pallas_call(
        _tc2,
        grid=(B,),
        in_specs=in_specs2,
        out_specs=pl.BlockSpec((1, _N, _D), lambda b: (b, 0, 0)),
        out_shape=jax.ShapeDtypeStruct((B, _N, _D), jnp.float32),
        compiler_params=pltpu.CompilerParams(
            dimension_semantics=("parallel",)),
    )(*args2)

# --- scband reference (transcript-rebuilt; emitter-appended) ---
"""Pipeline reference for scband-rgb-scluster-former-81535659147850 (READ-ONLY COPY).

The authoritative reference and input builder live on the scoring server;
editing this copy changes nothing except your own understanding.
"""

import jax, jax.numpy as jnp
import numpy as np

P = 24; D = 384; H = 8; HD = 24; HC = H * HD; M = 16; N = P * P; B = 16; HID = D * 4

def _ln(x, g, b):
    m = x.mean(-1, keepdims=True)
    v = ((x - m) ** 2).mean(-1, keepdims=True)
    return (x - m) / jnp.sqrt(v + 1e-5) * g + b

def _conv1x1(x, W, b):
    return jnp.einsum('bchw,oc->bohw', x, W) + b[None, :, None, None]

def _pool4(x):
    b, c, w, h = x.shape
    return x.reshape(b, c, 4, w // 4, 4, h // 4).mean(axis=(3, 5))

def _l2norm(x):
    n = jnp.linalg.norm(x, axis=-1, keepdims=True)
    return x / jnp.maximum(n, 1e-12)

def _pairwise_euclidean_sim(x1, x2):
    x1 = _l2norm(x1); x2 = _l2norm(x2)
    em = jnp.linalg.norm(x1[:, :, None, :] - x2[:, None, :, :], axis=-1)
    return jnp.exp(-em)

def _cluster(xn, Wf, bf, Wv, bv, sim_alpha, sim_beta, Wproj, bproj):
    b = xn.shape[0]
    x4 = xn.reshape(b, P, P, D).transpose(0, 3, 1, 2)
    value = _conv1x1(x4, Wv, bv)
    xf = _conv1x1(x4, Wf, bf)
    xf = xf.reshape(b, H, HD, P, P).reshape(b * H, HD, P, P)
    value = value.reshape(b, H, HD, P, P).reshape(b * H, HD, P, P)
    centers = _pool4(xf)
    vc = _pool4(value).reshape(b * H, HD, M).transpose(0, 2, 1)
    cf = centers.reshape(b * H, HD, M).transpose(0, 2, 1)
    xflat = xf.reshape(b * H, HD, N).transpose(0, 2, 1)
    sim = jax.nn.leaky_relu(sim_beta + sim_alpha * _pairwise_euclidean_sim(cf, xflat), 0.2)
    idx = jnp.argmax(sim, axis=1)
    mask = jax.nn.one_hot(idx, M, dtype=sim.dtype).transpose(0, 2, 1)
    sim = sim * mask
    v2 = value.reshape(b * H, HD, N).transpose(0, 2, 1)
    out = (jnp.einsum('bnc,bmn->bmc', v2, sim) + vc) / (mask.sum(axis=-1, keepdims=True) + 1.0)
    out = jnp.einsum('bmc,bmn->bnc', out, sim)
    out = out.transpose(0, 2, 1).reshape(b * H, HD, P, P).reshape(b, HC, P, P)
    out = _conv1x1(out, Wproj, bproj)
    return out.reshape(b, D, N).transpose(0, 2, 1)

def setup_inputs(seed: int = 0):
    key = jax.random.key(seed)
    ks = jax.random.split(key, 8)
    x = jax.random.normal(ks[0], (B, N, D), dtype=jnp.float32)
    Wf = jax.random.normal(ks[1], (HC, D), dtype=jnp.float32) * 0.02
    bf = jnp.zeros((HC,), dtype=jnp.float32)
    Wv = jax.random.normal(ks[2], (HC, D), dtype=jnp.float32) * 0.02
    bv = jnp.zeros((HC,), dtype=jnp.float32)
    Wproj = jax.random.normal(ks[3], (D, HC), dtype=jnp.float32) * 0.02
    bproj = jnp.zeros((D,), dtype=jnp.float32)
    W1 = jax.random.normal(ks[4], (HID, D), dtype=jnp.float32) * 0.02
    b1 = jnp.zeros((HID,), dtype=jnp.float32)
    W2 = jax.random.normal(ks[5], (D, HID), dtype=jnp.float32) * 0.02
    b2 = jnp.zeros((D,), dtype=jnp.float32)
    return {
        'x': x,
        'gamma1': jnp.ones((D,), dtype=jnp.float32), 'beta1': jnp.zeros((D,), dtype=jnp.float32),
        'gamma2': jnp.ones((D,), dtype=jnp.float32), 'beta2': jnp.zeros((D,), dtype=jnp.float32),
        'Wf': Wf, 'bf': bf, 'Wv': Wv, 'bv': bv,
        'sim_alpha': jnp.ones((1,), dtype=jnp.float32), 'sim_beta': jnp.zeros((1,), dtype=jnp.float32),
        'Wproj': Wproj, 'bproj': bproj,
        'W1': W1, 'b1': b1, 'W2': W2, 'b2': b2,
    }

def reference(x, gamma1, beta1, gamma2, beta2, Wf, bf, Wv, bv, sim_alpha, sim_beta, Wproj, bproj, W1, b1, W2, b2):
    a = _cluster(_ln(x, gamma1, beta1), Wf, bf, Wv, bv, sim_alpha, sim_beta, Wproj, bproj)
    x1 = x + a
    h = _ln(x1, gamma2, beta2)
    h = jax.nn.gelu(h @ W1.T + b1, approximate=False)
    h = h @ W2.T + b2
    return x1 + h

if __name__ == "__main__":
    import jax
    _d = setup_inputs()
    print(jax.jit(kernel)(*tuple(_d.values())))

</pallas_src>

<mosaic_0001>
#map = affine_map<(d0, d1) -> (0, 0, 0)>
#map1 = affine_map<(d0, d1) -> (0, 0)>
module attributes {stable_mosaic.version = 14 : i64} {
  func.func @_sc_argmax_kernel(%arg0: i32, %arg1: i32, %arg2: memref<128x16x576xf32, #tpu.memory_space<hbm>>, %arg3: memref<128x576xi32, #tpu.memory_space<hbm>>, %arg4: memref<128x576xf32, #tpu.memory_space<hbm>>, %arg5: memref<16x576xf32, #tpu.memory_space<vmem>>, %arg6: memref<576xi32, #tpu.memory_space<vmem>>, %arg7: memref<576xf32, #tpu.memory_space<vmem>>) attributes {dimension_semantics = [#tpu.dimension_semantics<core_parallel>, #tpu.dimension_semantics<subcore_parallel>], iteration_bounds = array<i64: 2, 16>, scalar_prefetch = 0 : i64, scratch_operands = 3 : i64, tpu.core_type = #tpu.core_type<sc_vector_subcore>, window_params = [{transform_indices = #map}, {transform_indices = #map1}, {transform_indices = #map1}]} {
    %mul3A = arith.constant 2 : i32
    %mul3A_0 = arith.muli %arg1, %mul3A : i32
    %add3A = arith.addi %mul3A_0, %arg0 : i32
    %mul3A_1 = arith.constant 4 : i32
    %mul3A_2 = arith.muli %add3A, %mul3A_1 : i32
    %add3A_3 = arith.constant 0 : i32
    %add3A_4 = arith.addi %mul3A_2, %add3A_3 : i32
    "tpu.region"() ({
      %run_scoped3A = tpu.sem_alloc : memref<!tpu.dma_semaphore, #tpu.memory_space<semaphore_mem>>
      %dma_start3A = arith.constant 0 : i32
      %dma_start3A_40 = arith.constant 0 : i32
      %dma_start3A_41 = tpu.memref_slice %arg2[%add3A_4, %dma_start3A, %dma_start3A_40] : memref<128x16x576xf32, #tpu.memory_space<hbm>> -> memref<1x16x576xf32, #tpu.memory_space<hbm>>
      %dma_start3A_42 = tpu.memref_squeeze %dma_start3A_41 : memref<1x16x576xf32, #tpu.memory_space<hbm>> -> memref<16x576xf32, #tpu.memory_space<hbm>>
      %dma_start3A_43 = arith.constant 0 : i32
      %dma_start3A_44 = arith.constant 0 : i32
      %dma_start3A_45 = tpu.memref_slice %arg2[%add3A_4, %dma_start3A_43, %dma_start3A_44] : memref<128x16x576xf32, #tpu.memory_space<hbm>> -> memref<1x16x576xf32, #tpu.memory_space<hbm>>
      %dma_start3A_46 = tpu.memref_squeeze %dma_start3A_45 : memref<1x16x576xf32, #tpu.memory_space<hbm>> -> memref<16x576xf32, #tpu.memory_space<hbm>>
      tpu.enqueue_dma source(%dma_start3A_46 : memref<16x576xf32, #tpu.memory_space<hbm>>) target(%arg5 : memref<16x576xf32, #tpu.memory_space<vmem>>) target_semaphore(%run_scoped3A : memref<!tpu.dma_semaphore, #tpu.memory_space<semaphore_mem>>)
      %dma_wait3A = arith.constant 0 : i32
      %dma_wait3A_47 = arith.constant 0 : i32
      %dma_wait3A_48 = tpu.memref_slice %arg2[%add3A_4, %dma_wait3A, %dma_wait3A_47] : memref<128x16x576xf32, #tpu.memory_space<hbm>> -> memref<1x16x576xf32, #tpu.memory_space<hbm>>
      %dma_wait3A_49 = tpu.memref_squeeze %dma_wait3A_48 : memref<1x16x576xf32, #tpu.memory_space<hbm>> -> memref<16x576xf32, #tpu.memory_space<hbm>>
      %dma_wait3A_50 = arith.constant 0 : i32
      %dma_wait3A_51 = arith.constant 0 : i32
      %dma_wait3A_52 = tpu.memref_slice %arg2[%add3A_4, %dma_wait3A_50, %dma_wait3A_51] : memref<128x16x576xf32, #tpu.memory_space<hbm>> -> memref<1x16x576xf32, #tpu.memory_space<hbm>>
      %dma_wait3A_53 = tpu.memref_squeeze %dma_wait3A_52 : memref<1x16x576xf32, #tpu.memory_space<hbm>> -> memref<16x576xf32, #tpu.memory_space<hbm>>
      tpu.wait_dma2 semaphore(%run_scoped3A : memref<!tpu.dma_semaphore, #tpu.memory_space<semaphore_mem>>) src(%dma_wait3A_53 : memref<16x576xf32, #tpu.memory_space<hbm>>) dst(%arg5 : memref<16x576xf32, #tpu.memory_space<vmem>>)
      tpu.yield
    }) : () -> ()
    %scan3A = arith.constant 0 : i32
    %scan3A_5 = arith.constant 0 : i32
    %scan3A_6 = arith.constant 36 : i32
    %scan3A_7 = arith.addi %scan3A_5, %scan3A_6 : i32
    %scan3A_8 = arith.constant 1 : i32
    scf.for %scan3A_40 = %scan3A_5 to %scan3A_7 step %scan3A_8  : i32 {
      %mul3A_41 = arith.constant 16 : i32
      %mul3A_42 = arith.muli %scan3A_40, %mul3A_41 : i32
      %get3A = arith.constant 0 : i32
      %get3A_43 = arith.index_cast %get3A : i32 to index
      %get3A_44 = arith.index_cast %mul3A_42 : i32 to index
      %get3A_45 = tpu.vector_load %arg5[%get3A_43, %get3A_44] {strides = array<i32>} : memref<16x576xf32, #tpu.memory_space<vmem>>, vector<1x16xf32>,
      %get3A_46 = vector.shape_cast %get3A_45 : vector<1x16xf32> to vector<16xf32>
      %broadcast_in_dim3A = arith.constant 0 : i32
      %broadcast_in_dim3A_47 = vector.broadcast %broadcast_in_dim3A : i32 to vector<16xi32>
      %get3A_48 = arith.constant 1 : i32
      %get3A_49 = arith.index_cast %get3A_48 : i32 to index
      %get3A_50 = arith.index_cast %mul3A_42 : i32 to index
      %get3A_51 = tpu.vector_load %arg5[%get3A_49, %get3A_50] {strides = array<i32>} : memref<16x576xf32, #tpu.memory_space<vmem>>, vector<1x16xf32>,
      %get3A_52 = vector.shape_cast %get3A_51 : vector<1x16xf32> to vector<16xf32>
      %gt3A = arith.cmpf ogt, %get3A_52, %get3A_46 : vector<16xf32>
      %select_n3A = arith.select %gt3A, %get3A_52, %get3A_46 : vector<16xi1>, vector<16xf32>
      %broadcast_in_dim3A_53 = arith.constant 1 : i32
      %broadcast_in_dim3A_54 = vector.broadcast %broadcast_in_dim3A_53 : i32 to vector<16xi32>
      %select_n3A_55 = arith.select %gt3A, %broadcast_in_dim3A_54, %broadcast_in_dim3A_47 : vector<16xi1>, vector<16xi32>
      %get3A_56 = arith.constant 2 : i32
      %get3A_57 = arith.index_cast %get3A_56 : i32 to index
      %get3A_58 = arith.index_cast %mul3A_42 : i32 to index
      %get3A_59 = tpu.vector_load %arg5[%get3A_57, %get3A_58] {strides = array<i32>} : memref<16x576xf32, #tpu.memory_space<vmem>>, vector<1x16xf32>,
      %get3A_60 = vector.shape_cast %get3A_59 : vector<1x16xf32> to vector<16xf32>
      %gt3A_61 = arith.cmpf ogt, %get3A_60, %select_n3A : vector<16xf32>
      %select_n3A_62 = arith.select %gt3A_61, %get3A_60, %select_n3A : vector<16xi1>, vector<16xf32>
      %broadcast_in_dim3A_63 = arith.constant 2 : i32
      %broadcast_in_dim3A_64 = vector.broadcast %broadcast_in_dim3A_63 : i32 to vector<16xi32>
      %select_n3A_65 = arith.select %gt3A_61, %broadcast_in_dim3A_64, %select_n3A_55 : vector<16xi1>, vector<16xi32>
      %get3A_66 = arith.constant 3 : i32
      %get3A_67 = arith.index_cast %get3A_66 : i32 to index
      %get3A_68 = arith.index_cast %mul3A_42 : i32 to index
      %get3A_69 = tpu.vector_load %arg5[%get3A_67, %get3A_68] {strides = array<i32>} : memref<16x576xf32, #tpu.memory_space<vmem>>, vector<1x16xf32>,
      %get3A_70 = vector.shape_cast %get3A_69 : vector<1x16xf32> to vector<16xf32>
      %gt3A_71 = arith.cmpf ogt, %get3A_70, %select_n3A_62 : vector<16xf32>
      %select_n3A_72 = arith.select %gt3A_71, %get3A_70, %select_n3A_62 : vector<16xi1>, vector<16xf32>
      %broadcast_in_dim3A_73 = arith.constant 3 : i32
      %broadcast_in_dim3A_74 = vector.broadcast %broadcast_in_dim3A_73 : i32 to vector<16xi32>
      %select_n3A_75 = arith.select %gt3A_71, %broadcast_in_dim3A_74, %select_n3A_65 : vector<16xi1>, vector<16xi32>
      %get3A_76 = arith.constant 4 : i32
      %get3A_77 = arith.index_cast %get3A_76 : i32 to index
      %get3A_78 = arith.index_cast %mul3A_42 : i32 to index
      %get3A_79 = tpu.vector_load %arg5[%get3A_77, %get3A_78] {strides = array<i32>} : memref<16x576xf32, #tpu.memory_space<vmem>>, vector<1x16xf32>,
      %get3A_80 = vector.shape_cast %get3A_79 : vector<1x16xf32> to vector<16xf32>
      %gt3A_81 = arith.cmpf ogt, %get3A_80, %select_n3A_72 : vector<16xf32>
      %select_n3A_82 = arith.select %gt3A_81, %get3A_80, %select_n3A_72 : vector<16xi1>, vector<16xf32>
      %broadcast_in_dim3A_83 = arith.constant 4 : i32
      %broadcast_in_dim3A_84 = vector.broadcast %broadcast_in_dim3A_83 : i32 to vector<16xi32>
      %select_n3A_85 = arith.select %gt3A_81, %broadcast_in_dim3A_84, %select_n3A_75 : vector<16xi1>, vector<16xi32>
      %get3A_86 = arith.constant 5 : i32
      %get3A_87 = arith.index_cast %get3A_86 : i32 to index
      %get3A_88 = arith.index_cast %mul3A_42 : i32 to index
      %get3A_89 = tpu.vector_load %arg5[%get3A_87, %get3A_88] {strides = array<i32>} : memref<16x576xf32, #tpu.memory_space<vmem>>, vector<1x16xf32>,
      %get3A_90 = vector.shape_cast %get3A_89 : vector<1x16xf32> to vector<16xf32>
      %gt3A_91 = arith.cmpf ogt, %get3A_90, %select_n3A_82 : vector<16xf32>
      %select_n3A_92 = arith.select %gt3A_91, %get3A_90, %select_n3A_82 : vector<16xi1>, vector<16xf32>
      %broadcast_in_dim3A_93 = arith.constant 5 : i32
      %broadcast_in_dim3A_94 = vector.broadcast %broadcast_in_dim3A_93 : i32 to vector<16xi32>
      %select_n3A_95 = arith.select %gt3A_91, %broadcast_in_dim3A_94, %select_n3A_85 : vector<16xi1>, vector<16xi32>
      %get3A_96 = arith.constant 6 : i32
      %get3A_97 = arith.index_cast %get3A_96 : i32 to index
      %get3A_98 = arith.index_cast %mul3A_42 : i32 to index
      %get3A_99 = tpu.vector_load %arg5[%get3A_97, %get3A_98] {strides = array<i32>} : memref<16x576xf32, #tpu.memory_space<vmem>>, vector<1x16xf32>,
      %get3A_100 = vector.shape_cast %get3A_99 : vector<1x16xf32> to vector<16xf32>
      %gt3A_101 = arith.cmpf ogt, %get3A_100, %select_n3A_92 : vector<16xf32>
      %select_n3A_102 = arith.select %gt3A_101, %get3A_100, %select_n3A_92 : vector<16xi1>, vector<16xf32>
      %broadcast_in_dim3A_103 = arith.constant 6 : i32
      %broadcast_in_dim3A_104 = vector.broadcast %broadcast_in_dim3A_103 : i32 to vector<16xi32>
      %select_n3A_105 = arith.select %gt3A_101, %broadcast_in_dim3A_104, %select_n3A_95 : vector<16xi1>, vector<16xi32>
      %get3A_106 = arith.constant 7 : i32
      %get3A_107 = arith.index_cast %get3A_106 : i32 to index
      %get3A_108 = arith.index_cast %mul3A_42 : i32 to index
      %get3A_109 = tpu.vector_load %arg5[%get3A_107, %get3A_108] {strides = array<i32>} : memref<16x576xf32, #tpu.memory_space<vmem>>, vector<1x16xf32>,
      %get3A_110 = vector.shape_cast %get3A_109 : vector<1x16xf32> to vector<16xf32>
      %gt3A_111 = arith.cmpf ogt, %get3A_110, %select_n3A_102 : vector<16xf32>
      %select_n3A_112 = arith.select %gt3A_111, %get3A_110, %select_n3A_102 : vector<16xi1>, vector<16xf32>
      %broadcast_in_dim3A_113 = arith.constant 7 : i32
      %broadcast_in_dim3A_114 = vector.broadcast %broadcast_in_dim3A_113 : i32 to vector<16xi32>
      %select_n3A_115 = arith.select %gt3A_111, %broadcast_in_dim3A_114, %select_n3A_105 : vector<16xi1>, vector<16xi32>
      %get3A_116 = arith.constant 8 : i32
      %get3A_117 = arith.index_cast %get3A_116 : i32 to index
      %get3A_118 = arith.index_cast %mul3A_42 : i32 to index
      %get3A_119 = tpu.vector_load %arg5[%get3A_117, %get3A_118] {strides = array<i32>} : memref<16x576xf32, #tpu.memory_space<vmem>>, vector<1x16xf32>,
      %get3A_120 = vector.shape_cast %get3A_119 : vector<1x16xf32> to vector<16xf32>
      %gt3A_121 = arith.cmpf ogt, %get3A_120, %select_n3A_112 : vector<16xf32>
      %select_n3A_122 = arith.select %gt3A_121, %get3A_120, %select_n3A_112 : vector<16xi1>, vector<16xf32>
      %broadcast_in_dim3A_123 = arith.constant 8 : i32
      %broadcast_in_dim3A_124 = vector.broadcast %broadcast_in_dim3A_123 : i32 to vector<16xi32>
      %select_n3A_125 = arith.select %gt3A_121, %broadcast_in_dim3A_124, %select_n3A_115 : vector<16xi1>, vector<16xi32>
      %get3A_126 = arith.constant 9 : i32
      %get3A_127 = arith.index_cast %get3A_126 : i32 to index
      %get3A_128 = arith.index_cast %mul3A_42 : i32 to index
      %get3A_129 = tpu.vector_load %arg5[%get3A_127, %get3A_128] {strides = array<i32>} : memref<16x576xf32, #tpu.memory_space<vmem>>, vector<1x16xf32>,
      %get3A_130 = vector.shape_cast %get3A_129 : vector<1x16xf32> to vector<16xf32>
      %gt3A_131 = arith.cmpf ogt, %get3A_130, %select_n3A_122 : vector<16xf32>
      %select_n3A_132 = arith.select %gt3A_131, %get3A_130, %select_n3A_122 : vector<16xi1>, vector<16xf32>
      %broadcast_in_dim3A_133 = arith.constant 9 : i32
      %broadcast_in_dim3A_134 = vector.broadcast %broadcast_in_dim3A_133 : i32 to vector<16xi32>
      %select_n3A_135 = arith.select %gt3A_131, %broadcast_in_dim3A_134, %select_n3A_125 : vector<16xi1>, vector<16xi32>
      %get3A_136 = arith.constant 10 : i32
      %get3A_137 = arith.index_cast %get3A_136 : i32 to index
      %get3A_138 = arith.index_cast %mul3A_42 : i32 to index
      %get3A_139 = tpu.vector_load %arg5[%get3A_137, %get3A_138] {strides = array<i32>} : memref<16x576xf32, #tpu.memory_space<vmem>>, vector<1x16xf32>,
      %get3A_140 = vector.shape_cast %get3A_139 : vector<1x16xf32> to vector<16xf32>
      %gt3A_141 = arith.cmpf ogt, %get3A_140, %select_n3A_132 : vector<16xf32>
      %select_n3A_142 = arith.select %gt3A_141, %get3A_140, %select_n3A_132 : vector<16xi1>, vector<16xf32>
      %broadcast_in_dim3A_143 = arith.constant 10 : i32
      %broadcast_in_dim3A_144 = vector.broadcast %broadcast_in_dim3A_143 : i32 to vector<16xi32>
      %select_n3A_145 = arith.select %gt3A_141, %broadcast_in_dim3A_144, %select_n3A_135 : vector<16xi1>, vector<16xi32>
      %get3A_146 = arith.constant 11 : i32
      %get3A_147 = arith.index_cast %get3A_146 : i32 to index
      %get3A_148 = arith.index_cast %mul3A_42 : i32 to index
      %get3A_149 = tpu.vector_load %arg5[%get3A_147, %get3A_148] {strides = array<i32>} : memref<16x576xf32, #tpu.memory_space<vmem>>, vector<1x16xf32>,
      %get3A_150 = vector.shape_cast %get3A_149 : vector<1x16xf32> to vector<16xf32>
      %gt3A_151 = arith.cmpf ogt, %get3A_150, %select_n3A_142 : vector<16xf32>
      %select_n3A_152 = arith.select %gt3A_151, %get3A_150, %select_n3A_142 : vector<16xi1>, vector<16xf32>
      %broadcast_in_dim3A_153 = arith.constant 11 : i32
      %broadcast_in_dim3A_154 = vector.broadcast %broadcast_in_dim3A_153 : i32 to vector<16xi32>
      %select_n3A_155 = arith.select %gt3A_151, %broadcast_in_dim3A_154, %select_n3A_145 : vector<16xi1>, vector<16xi32>
      %get3A_156 = arith.constant 12 : i32
      %get3A_157 = arith.index_cast %get3A_156 : i32 to index
      %get3A_158 = arith.index_cast %mul3A_42 : i32 to index
      %get3A_159 = tpu.vector_load %arg5[%get3A_157, %get3A_158] {strides = array<i32>} : memref<16x576xf32, #tpu.memory_space<vmem>>, vector<1x16xf32>,
      %get3A_160 = vector.shape_cast %get3A_159 : vector<1x16xf32> to vector<16xf32>
      %gt3A_161 = arith.cmpf ogt, %get3A_160, %select_n3A_152 : vector<16xf32>
      %select_n3A_162 = arith.select %gt3A_161, %get3A_160, %select_n3A_152 : vector<16xi1>, vector<16xf32>
      %broadcast_in_dim3A_163 = arith.constant 12 : i32
      %broadcast_in_dim3A_164 = vector.broadcast %broadcast_in_dim3A_163 : i32 to vector<16xi32>
      %select_n3A_165 = arith.select %gt3A_161, %broadcast_in_dim3A_164, %select_n3A_155 : vector<16xi1>, vector<16xi32>
      %get3A_166 = arith.constant 13 : i32
      %get3A_167 = arith.index_cast %get3A_166 : i32 to index
      %get3A_168 = arith.index_cast %mul3A_42 : i32 to index
      %get3A_169 = tpu.vector_load %arg5[%get3A_167, %get3A_168] {strides = array<i32>} : memref<16x576xf32, #tpu.memory_space<vmem>>, vector<1x16xf32>,
      %get3A_170 = vector.shape_cast %get3A_169 : vector<1x16xf32> to vector<16xf32>
      %gt3A_171 = arith.cmpf ogt, %get3A_170, %select_n3A_162 : vector<16xf32>
      %select_n3A_172 = arith.select %gt3A_171, %get3A_170, %select_n3A_162 : vector<16xi1>, vector<16xf32>
      %broadcast_in_dim3A_173 = arith.constant 13 : i32
      %broadcast_in_dim3A_174 = vector.broadcast %broadcast_in_dim3A_173 : i32 to vector<16xi32>
      %select_n3A_175 = arith.select %gt3A_171, %broadcast_in_dim3A_174, %select_n3A_165 : vector<16xi1>, vector<16xi32>
      %get3A_176 = arith.constant 14 : i32
      %get3A_177 = arith.index_cast %get3A_176 : i32 to index
      %get3A_178 = arith.index_cast %mul3A_42 : i32 to index
      %get3A_179 = tpu.vector_load %arg5[%get3A_177, %get3A_178] {strides = array<i32>} : memref<16x576xf32, #tpu.memory_space<vmem>>, vector<1x16xf32>,
      %get3A_180 = vector.shape_cast %get3A_179 : vector<1x16xf32> to vector<16xf32>
      %gt3A_181 = arith.cmpf ogt, %get3A_180, %select_n3A_172 : vector<16xf32>
      %select_n3A_182 = arith.select %gt3A_181, %get3A_180, %select_n3A_172 : vector<16xi1>, vector<16xf32>
      %broadcast_in_dim3A_183 = arith.constant 14 : i32
      %broadcast_in_dim3A_184 = vector.broadcast %broadcast_in_dim3A_183 : i32 to vector<16xi32>
      %select_n3A_185 = arith.select %gt3A_181, %broadcast_in_dim3A_184, %select_n3A_175 : vector<16xi1>, vector<16xi32>
      %get3A_186 = arith.constant 15 : i32
      %get3A_187 = arith.index_cast %get3A_186 : i32 to index
      %get3A_188 = arith.index_cast %mul3A_42 : i32 to index
      %get3A_189 = tpu.vector_load %arg5[%get3A_187, %get3A_188] {strides = array<i32>} : memref<16x576xf32, #tpu.memory_space<vmem>>, vector<1x16xf32>,
      %get3A_190 = vector.shape_cast %get3A_189 : vector<1x16xf32> to vector<16xf32>
      %gt3A_191 = arith.cmpf ogt, %get3A_190, %select_n3A_182 : vector<16xf32>
      %select_n3A_192 = arith.select %gt3A_191, %get3A_190, %select_n3A_182 : vector<16xi1>, vector<16xf32>
      %broadcast_in_dim3A_193 = arith.constant 15 : i32
      %broadcast_in_dim3A_194 = vector.broadcast %broadcast_in_dim3A_193 : i32 to vector<16xi32>
      %select_n3A_195 = arith.select %gt3A_191, %broadcast_in_dim3A_194, %select_n3A_185 : vector<16xi1>, vector<16xi32>
      %swap3A = arith.index_cast %mul3A_42 : i32 to index
      %swap3A_196 = tpu.vector_load %arg6[%swap3A] {strides = array<i32>} : memref<576xi32, #tpu.memory_space<vmem>>, vector<16xi32>,
      %swap3A_197 = vector.shape_cast %swap3A_196 : vector<16xi32> to vector<16xi32>
      %swap3A_198 = vector.shape_cast %select_n3A_195 : vector<16xi32> to vector<16xi32>
      tpu.vector_store %arg6[%swap3A], %swap3A_198 {strides = array<i32>} : memref<576xi32, #tpu.memory_space<vmem>>, vector<16xi32>,
      %swap3A_199 = arith.index_cast %mul3A_42 : i32 to index
      %swap3A_200 = tpu.vector_load %arg7[%swap3A_199] {strides = array<i32>} : memref<576xf32, #tpu.memory_space<vmem>>, vector<16xf32>,
      %swap3A_201 = vector.shape_cast %swap3A_200 : vector<16xf32> to vector<16xf32>
      %swap3A_202 = vector.shape_cast %select_n3A_192 : vector<16xf32> to vector<16xf32>
      tpu.vector_store %arg7[%swap3A_199], %swap3A_202 {strides = array<i32>} : memref<576xf32, #tpu.memory_space<vmem>>, vector<16xf32>,
    }
    %scan3A_9 = arith.constant 36 : i32
    "tpu.region"() ({
      %run_scoped3A = tpu.sem_alloc : memref<!tpu.dma_semaphore, #tpu.memory_space<semaphore_mem>>
      %dma_start3A = arith.constant 0 : i32
      %dma_start3A_40 = tpu.memref_slice %arg3[%add3A_4, %dma_start3A] : memref<128x576xi32, #tpu.memory_space<hbm>> -> memref<1x576xi32, #tpu.memory_space<hbm>>
      %dma_start3A_41 = tpu.memref_squeeze %dma_start3A_40 : memref<1x576xi32, #tpu.memory_space<hbm>> -> memref<576xi32, #tpu.memory_space<hbm>>
      %dma_start3A_42 = arith.constant 0 : i32
      %dma_start3A_43 = tpu.memref_slice %arg3[%add3A_4, %dma_start3A_42] : memref<128x576xi32, #tpu.memory_space<hbm>> -> memref<1x576xi32, #tpu.memory_space<hbm>>
      %dma_start3A_44 = tpu.memref_squeeze %dma_start3A_43 : memref<1x576xi32, #tpu.memory_space<hbm>> -> memref<576xi32, #tpu.memory_space<hbm>>
      tpu.enqueue_dma source(%arg6 : memref<576xi32, #tpu.memory_space<vmem>>) target(%dma_start3A_44 : memref<576xi32, #tpu.memory_space<hbm>>) target_semaphore(%run_scoped3A : memref<!tpu.dma_semaphore, #tpu.memory_space<semaphore_mem>>)
      %dma_wait3A = arith.constant 0 : i32
      %dma_wait3A_45 = tpu.memref_slice %arg3[%add3A_4, %dma_wait3A] : memref<128x576xi32, #tpu.memory_space<hbm>> -> memref<1x576xi32, #tpu.memory_space<hbm>>
      %dma_wait3A_46 = tpu.memref_squeeze %dma_wait3A_45 : memref<1x576xi32, #tpu.memory_space<hbm>> -> memref<576xi32, #tpu.memory_space<hbm>>
      %dma_wait3A_47 = arith.constant 0 : i32
      %dma_wait3A_48 = tpu.memref_slice %arg3[%add3A_4, %dma_wait3A_47] : memref<128x576xi32, #tpu.memory_space<hbm>> -> memref<1x576xi32, #tpu.memory_space<hbm>>
      %dma_wait3A_49 = tpu.memref_squeeze %dma_wait3A_48 : memref<1x576xi32, #tpu.memory_space<hbm>> -> memref<576xi32, #tpu.memory_space<hbm>>
      tpu.wait_dma2 semaphore(%run_scoped3A : memref<!tpu.dma_semaphore, #tpu.memory_space<semaphore_mem>>) src(%arg6 : memref<576xi32, #tpu.memory_space<vmem>>) dst(%dma_wait3A_49 : memref<576xi32, #tpu.memory_space<hbm>>)
      tpu.yield
    }) : () -> ()
    "tpu.region"() ({
      %run_scoped3A = tpu.sem_alloc : memref<!tpu.dma_semaphore, #tpu.memory_space<semaphore_mem>>
      %dma_start3A = arith.constant 0 : i32
      %dma_start3A_40 = tpu.memref_slice %arg4[%add3A_4, %dma_start3A] : memref<128x576xf32, #tpu.memory_space<hbm>> -> memref<1x576xf32, #tpu.memory_space<hbm>>
      %dma_start3A_41 = tpu.memref_squeeze %dma_start3A_40 : memref<1x576xf32, #tpu.memory_space<hbm>> -> memref<576xf32, #tpu.memory_space<hbm>>
      %dma_start3A_42 = arith.constant 0 : i32
      %dma_start3A_43 = tpu.memref_slice %arg4[%add3A_4, %dma_start3A_42] : memref<128x576xf32, #tpu.memory_space<hbm>> -> memref<1x576xf32, #tpu.memory_space<hbm>>
      %dma_start3A_44 = tpu.memref_squeeze %dma_start3A_43 : memref<1x576xf32, #tpu.memory_space<hbm>> -> memref<576xf32, #tpu.memory_space<hbm>>
      tpu.enqueue_dma source(%arg7 : memref<576xf32, #tpu.memory_space<vmem>>) target(%dma_start3A_44 : memref<576xf32, #tpu.memory_space<hbm>>) target_semaphore(%run_scoped3A : memref<!tpu.dma_semaphore, #tpu.memory_space<semaphore_mem>>)
      %dma_wait3A = arith.constant 0 : i32
      %dma_wait3A_45 = tpu.memref_slice %arg4[%add3A_4, %dma_wait3A] : memref<128x576xf32, #tpu.memory_space<hbm>> -> memref<1x576xf32, #tpu.memory_space<hbm>>
      %dma_wait3A_46 = tpu.memref_squeeze %dma_wait3A_45 : memref<1x576xf32, #tpu.memory_space<hbm>> -> memref<576xf32, #tpu.memory_space<hbm>>
      %dma_wait3A_47 = arith.constant 0 : i32
      %dma_wait3A_48 = tpu.memref_slice %arg4[%add3A_4, %dma_wait3A_47] : memref<128x576xf32, #tpu.memory_space<hbm>> -> memref<1x576xf32, #tpu.memory_space<hbm>>
      %dma_wait3A_49 = tpu.memref_squeeze %dma_wait3A_48 : memref<1x576xf32, #tpu.memory_space<hbm>> -> memref<576xf32, #tpu.memory_space<hbm>>
      tpu.wait_dma2 semaphore(%run_scoped3A : memref<!tpu.dma_semaphore, #tpu.memory_space<semaphore_mem>>) src(%arg7 : memref<576xf32, #tpu.memory_space<vmem>>) dst(%dma_wait3A_49 : memref<576xf32, #tpu.memory_space<hbm>>)
      tpu.yield
    }) : () -> ()
    %mul3A_10 = arith.constant 4 : i32
    %mul3A_11 = arith.muli %add3A, %mul3A_10 : i32
    %add3A_12 = arith.constant 1 : i32
    %add3A_13 = arith.addi %mul3A_11, %add3A_12 : i32
    "tpu.region"() ({
      %run_scoped3A = tpu.sem_alloc : memref<!tpu.dma_semaphore, #tpu.memory_space<semaphore_mem>>
      %dma_start3A = arith.constant 0 : i32
      %dma_start3A_40 = arith.constant 0 : i32
      %dma_start3A_41 = tpu.memref_slice %arg2[%add3A_13, %dma_start3A, %dma_start3A_40] : memref<128x16x576xf32, #tpu.memory_space<hbm>> -> memref<1x16x576xf32, #tpu.memory_space<hbm>>
      %dma_start3A_42 = tpu.memref_squeeze %dma_start3A_41 : memref<1x16x576xf32, #tpu.memory_space<hbm>> -> memref<16x576xf32, #tpu.memory_space<hbm>>
      %dma_start3A_43 = arith.constant 0 : i32
      %dma_start3A_44 = arith.constant 0 : i32
      %dma_start3A_45 = tpu.memref_slice %arg2[%add3A_13, %dma_start3A_43, %dma_start3A_44] : memref<128x16x576xf32, #tpu.memory_space<hbm>> -> memref<1x16x576xf32, #tpu.memory_space<hbm>>
      %dma_start3A_46 = tpu.memref_squeeze %dma_start3A_45 : memref<1x16x576xf32, #tpu.memory_space<hbm>> -> memref<16x576xf32, #tpu.memory_space<hbm>>
      tpu.enqueue_dma source(%dma_start3A_46 : memref<16x576xf32, #tpu.memory_space<hbm>>) target(%arg5 : memref<16x576xf32, #tpu.memory_space<vmem>>) target_semaphore(%run_scoped3A : memref<!tpu.dma_semaphore, #tpu.memory_space<semaphore_mem>>)
      %dma_wait3A = arith.constant 0 : i32
      %dma_wait3A_47 = arith.constant 0 : i32
      %dma_wait3A_48 = tpu.memref_slice %arg2[%add3A_13, %dma_wait3A, %dma_wait3A_47] : memref<128x16x576xf32, #tpu.memory_space<hbm>> -> memref<1x16x576xf32, #tpu.memory_space<hbm>>
      %dma_wait3A_49 = tpu.memref_squeeze %dma_wait3A_48 : memref<1x16x576xf32, #tpu.memory_space<hbm>> -> memref<16x576xf32, #tpu.memory_space<hbm>>
      %dma_wait3A_50 = arith.constant 0 : i32
      %dma_wait3A_51 = arith.constant 0 : i32
      %dma_wait3A_52 = tpu.memref_slice %arg2[%add3A_13, %dma_wait3A_50, %dma_wait3A_51] : memref<128x16x576xf32, #tpu.memory_space<hbm>> -> memref<1x16x576xf32, #tpu.memory_space<hbm>>
      %dma_wait3A_53 = tpu.memref_squeeze %dma_wait3A_52 : memref<1x16x576xf32, #tpu.memory_space<hbm>> -> memref<16x576xf32, #tpu.memory_space<hbm>>
      tpu.wait_dma2 semaphore(%run_scoped3A : memref<!tpu.dma_semaphore, #tpu.memory_space<semaphore_mem>>) src(%dma_wait3A_53 : memref<16x576xf32, #tpu.memory_space<hbm>>) dst(%arg5 : memref<16x576xf32, #tpu.memory_space<vmem>>)
      tpu.yield
    }) : () -> ()
    %scan3A_14 = arith.constant 0 : i32
    %scan3A_15 = arith.constant 0 : i32
    %scan3A_16 = arith.constant 36 : i32
    %scan3A_17 = arith.addi %scan3A_15, %scan3A_16 : i32
    %scan3A_18 = arith.constant 1 : i32
    scf.for %scan3A_40 = %scan3A_15 to %scan3A_17 step %scan3A_18  : i32 {
      %mul3A_41 = arith.constant 16 : i32
      %mul3A_42 = arith.muli %scan3A_40, %mul3A_41 : i32
      %get3A = arith.constant 0 : i32
      %get3A_43 = arith.index_cast %get3A : i32 to index
      %get3A_44 = arith.index_cast %mul3A_42 : i32 to index
      %get3A_45 = tpu.vector_load %arg5[%get3A_43, %get3A_44] {strides = array<i32>} : memref<16x576xf32, #tpu.memory_space<vmem>>, vector<1x16xf32>,
      %get3A_46 = vector.shape_cast %get3A_45 : vector<1x16xf32> to vector<16xf32>
      %broadcast_in_dim3A = arith.constant 0 : i32
      %broadcast_in_dim3A_47 = vector.broadcast %broadcast_in_dim3A : i32 to vector<16xi32>
      %get3A_48 = arith.constant 1 : i32
      %get3A_49 = arith.index_cast %get3A_48 : i32 to index
      %get3A_50 = arith.index_cast %mul3A_42 : i32 to index
      %get3A_51 = tpu.vector_load %arg5[%get3A_49, %get3A_50] {strides = array<i32>} : memref<16x576xf32, #tpu.memory_space<vmem>>, vector<1x16xf32>,
      %get3A_52 = vector.shape_cast %get3A_51 : vector<1x16xf32> to vector<16xf32>
      %gt3A = arith.cmpf ogt, %get3A_52, %get3A_46 : vector<16xf32>
      %select_n3A = arith.select %gt3A, %get3A_52, %get3A_46 : vector<16xi1>, vector<16xf32>
      %broadcast_in_dim3A_53 = arith.constant 1 : i32
      %broadcast_in_dim3A_54 = vector.broadcast %broadcast_in_dim3A_53 : i32 to vector<16xi32>
      %select_n3A_55 = arith.select %gt3A, %broadcast_in_dim3A_54, %broadcast_in_dim3A_47 : vector<16xi1>, vector<16xi32>
      %get3A_56 = arith.constant 2 : i32
      %get3A_57 = arith.index_cast %get3A_56 : i32 to index
      %get3A_58 = arith.index_cast %mul3A_42 : i32 to index
      %get3A_59 = tpu.vector_load %arg5[%get3A_57, %get3A_58] {strides = array<i32>} : memref<16x576xf32, #tpu.memory_space<vmem>>, vector<1x16xf32>,
      %get3A_60 = vector.shape_cast %get3A_59 : vector<1x16xf32> to vector<16xf32>
      %gt3A_61 = arith.cmpf ogt, %get3A_60, %select_n3A : vector<16xf32>
      %select_n3A_62 = arith.select %gt3A_61, %get3A_60, %select_n3A : vector<16xi1>, vector<16xf32>
      %broadcast_in_dim3A_63 = arith.constant 2 : i32
      %broadcast_in_dim3A_64 = vector.broadcast %broadcast_in_dim3A_63 : i32 to vector<16xi32>
      %select_n3A_65 = arith.select %gt3A_61, %broadcast_in_dim3A_64, %select_n3A_55 : vector<16xi1>, vector<16xi32>
      %get3A_66 = arith.constant 3 : i32
      %get3A_67 = arith.index_cast %get3A_66 : i32 to index
      %get3A_68 = arith.index_cast %mul3A_42 : i32 to index
      %get3A_69 = tpu.vector_load %arg5[%get3A_67, %get3A_68] {strides = array<i32>} : memref<16x576xf32, #tpu.memory_space<vmem>>, vector<1x16xf32>,
      %get3A_70 = vector.shape_cast %get3A_69 : vector<1x16xf32> to vector<16xf32>
      %gt3A_71 = arith.cmpf ogt, %get3A_70, %select_n3A_62 : vector<16xf32>
      %select_n3A_72 = arith.select %gt3A_71, %get3A_70, %select_n3A_62 : vector<16xi1>, vector<16xf32>
      %broadcast_in_dim3A_73 = arith.constant 3 : i32
      %broadcast_in_dim3A_74 = vector.broadcast %broadcast_in_dim3A_73 : i32 to vector<16xi32>
      %select_n3A_75 = arith.select %gt3A_71, %broadcast_in_dim3A_74, %select_n3A_65 : vector<16xi1>, vector<16xi32>
      %get3A_76 = arith.constant 4 : i32
      %get3A_77 = arith.index_cast %get3A_76 : i32 to index
      %get3A_78 = arith.index_cast %mul3A_42 : i32 to index
      %get3A_79 = tpu.vector_load %arg5[%get3A_77, %get3A_78] {strides = array<i32>} : memref<16x576xf32, #tpu.memory_space<vmem>>, vector<1x16xf32>,
      %get3A_80 = vector.shape_cast %get3A_79 : vector<1x16xf32> to vector<16xf32>
      %gt3A_81 = arith.cmpf ogt, %get3A_80, %select_n3A_72 : vector<16xf32>
      %select_n3A_82 = arith.select %gt3A_81, %get3A_80, %select_n3A_72 : vector<16xi1>, vector<16xf32>
      %broadcast_in_dim3A_83 = arith.constant 4 : i32
      %broadcast_in_dim3A_84 = vector.broadcast %broadcast_in_dim3A_83 : i32 to vector<16xi32>
      %select_n3A_85 = arith.select %gt3A_81, %broadcast_in_dim3A_84, %select_n3A_75 : vector<16xi1>, vector<16xi32>
      %get3A_86 = arith.constant 5 : i32
      %get3A_87 = arith.index_cast %get3A_86 : i32 to index
      %get3A_88 = arith.index_cast %mul3A_42 : i32 to index
      %get3A_89 = tpu.vector_load %arg5[%get3A_87, %get3A_88] {strides = array<i32>} : memref<16x576xf32, #tpu.memory_space<vmem>>, vector<1x16xf32>,
      %get3A_90 = vector.shape_cast %get3A_89 : vector<1x16xf32> to vector<16xf32>
      %gt3A_91 = arith.cmpf ogt, %get3A_90, %select_n3A_82 : vector<16xf32>
      %select_n3A_92 = arith.select %gt3A_91, %get3A_90, %select_n3A_82 : vector<16xi1>, vector<16xf32>
      %broadcast_in_dim3A_93 = arith.constant 5 : i32
      %broadcast_in_dim3A_94 = vector.broadcast %broadcast_in_dim3A_93 : i32 to vector<16xi32>
      %select_n3A_95 = arith.select %gt3A_91, %broadcast_in_dim3A_94, %select_n3A_85 : vector<16xi1>, vector<16xi32>
      %get3A_96 = arith.constant 6 : i32
      %get3A_97 = arith.index_cast %get3A_96 : i32 to index
      %get3A_98 = arith.index_cast %mul3A_42 : i32 to index
      %get3A_99 = tpu.vector_load %arg5[%get3A_97, %get3A_98] {strides = array<i32>} : memref<16x576xf32, #tpu.memory_space<vmem>>, vector<1x16xf32>,
      %get3A_100 = vector.shape_cast %get3A_99 : vector<1x16xf32> to vector<16xf32>
      %gt3A_101 = arith.cmpf ogt, %get3A_100, %select_n3A_92 : vector<16xf32>
      %select_n3A_102 = arith.select %gt3A_101, %get3A_100, %select_n3A_92 : vector<16xi1>, vector<16xf32>
      %broadcast_in_dim3A_103 = arith.constant 6 : i32
      %broadcast_in_dim3A_104 = vector.broadcast %broadcast_in_dim3A_103 : i32 to vector<16xi32>
      %select_n3A_105 = arith.select %gt3A_101, %broadcast_in_dim3A_104, %select_n3A_95 : vector<16xi1>, vector<16xi32>
      %get3A_106 = arith.constant 7 : i32
      %get3A_107 = arith.index_cast %get3A_106 : i32 to index
      %get3A_108 = arith.index_cast %mul3A_42 : i32 to index
      %get3A_109 = tpu.vector_load %arg5[%get3A_107, %get3A_108] {strides = array<i32>} : memref<16x576xf32, #tpu.memory_space<vmem>>, vector<1x16xf32>,
      %get3A_110 = vector.shape_cast %get3A_109 : vector<1x16xf32> to vector<16xf32>
      %gt3A_111 = arith.cmpf ogt, %get3A_110, %select_n3A_102 : vector<16xf32>
      %select_n3A_112 = arith.select %gt3A_111, %get3A_110, %select_n3A_102 : vector<16xi1>, vector<16xf32>
      %broadcast_in_dim3A_113 = arith.constant 7 : i32
      %broadcast_in_dim3A_114 = vector.broadcast %broadcast_in_dim3A_113 : i32 to vector<16xi32>
      %select_n3A_115 = arith.select %gt3A_111, %broadcast_in_dim3A_114, %select_n3A_105 : vector<16xi1>, vector<16xi32>
      %get3A_116 = arith.constant 8 : i32
      %get3A_117 = arith.index_cast %get3A_116 : i32 to index
      %get3A_118 = arith.index_cast %mul3A_42 : i32 to index
      %get3A_119 = tpu.vector_load %arg5[%get3A_117, %get3A_118] {strides = array<i32>} : memref<16x576xf32, #tpu.memory_space<vmem>>, vector<1x16xf32>,
      %get3A_120 = vector.shape_cast %get3A_119 : vector<1x16xf32> to vector<16xf32>
      %gt3A_121 = arith.cmpf ogt, %get3A_120, %select_n3A_112 : vector<16xf32>
      %select_n3A_122 = arith.select %gt3A_121, %get3A_120, %select_n3A_112 : vector<16xi1>, vector<16xf32>
      %broadcast_in_dim3A_123 = arith.constant 8 : i32
      %broadcast_in_dim3A_124 = vector.broadcast %broadcast_in_dim3A_123 : i32 to vector<16xi32>
      %select_n3A_125 = arith.select %gt3A_121, %broadcast_in_dim3A_124, %select_n3A_115 : vector<16xi1>, vector<16xi32>
      %get3A_126 = arith.constant 9 : i32
      %get3A_127 = arith.index_cast %get3A_126 : i32 to index
      %get3A_128 = arith.index_cast %mul3A_42 : i32 to index
      %get3A_129 = tpu.vector_load %arg5[%get3A_127, %get3A_128] {strides = array<i32>} : memref<16x576xf32, #tpu.memory_space<vmem>>, vector<1x16xf32>,
      %get3A_130 = vector.shape_cast %get3A_129 : vector<1x16xf32> to vector<16xf32>
      %gt3A_131 = arith.cmpf ogt, %get3A_130, %select_n3A_122 : vector<16xf32>
      %select_n3A_132 = arith.select %gt3A_131, %get3A_130, %select_n3A_122 : vector<16xi1>, vector<16xf32>
      %broadcast_in_dim3A_133 = arith.constant 9 : i32
      %broadcast_in_dim3A_134 = vector.broadcast %broadcast_in_dim3A_133 : i32 to vector<16xi32>
      %select_n3A_135 = arith.select %gt3A_131, %broadcast_in_dim3A_134, %select_n3A_125 : vector<16xi1>, vector<16xi32>
      %get3A_136 = arith.constant 10 : i32
      %get3A_137 = arith.index_cast %get3A_136 : i32 to index
      %get3A_138 = arith.index_cast %mul3A_42 : i32 to index
      %get3A_139 = tpu.vector_load %arg5[%get3A_137, %get3A_138] {strides = array<i32>} : memref<16x576xf32, #tpu.memory_space<vmem>>, vector<1x16xf32>,
      %get3A_140 = vector.shape_cast %get3A_139 : vector<1x16xf32> to vector<16xf32>
      %gt3A_141 = arith.cmpf ogt, %get3A_140, %select_n3A_132 : vector<16xf32>
      %select_n3A_142 = arith.select %gt3A_141, %get3A_140, %select_n3A_132 : vector<16xi1>, vector<16xf32>
      %broadcast_in_dim3A_143 = arith.constant 10 : i32
      %broadcast_in_dim3A_144 = vector.broadcast %broadcast_in_dim3A_143 : i32 to vector<16xi32>
      %select_n3A_145 = arith.select %gt3A_141, %broadcast_in_dim3A_144, %select_n3A_135 : vector<16xi1>, vector<16xi32>
      %get3A_146 = arith.constant 11 : i32
      %get3A_147 = arith.index_cast %get3A_146 : i32 to index
      %get3A_148 = arith.index_cast %mul3A_42 : i32 to index
      %get3A_149 = tpu.vector_load %arg5[%get3A_147, %get3A_148] {strides = array<i32>} : memref<16x576xf32, #tpu.memory_space<vmem>>, vector<1x16xf32>,
      %get3A_150 = vector.shape_cast %get3A_149 : vector<1x16xf32> to vector<16xf32>
      %gt3A_151 = arith.cmpf ogt, %get3A_150, %select_n3A_142 : vector<16xf32>
      %select_n3A_152 = arith.select %gt3A_151, %get3A_150, %select_n3A_142 : vector<16xi1>, vector<16xf32>
      %broadcast_in_dim3A_153 = arith.constant 11 : i32
      %broadcast_in_dim3A_154 = vector.broadcast %broadcast_in_dim3A_153 : i32 to vector<16xi32>
      %select_n3A_155 = arith.select %gt3A_151, %broadcast_in_dim3A_154, %select_n3A_145 : vector<16xi1>, vector<16xi32>
      %get3A_156 = arith.constant 12 : i32
      %get3A_157 = arith.index_cast %get3A_156 : i32 to index
      %get3A_158 = arith.index_cast %mul3A_42 : i32 to index
      %get3A_159 = tpu.vector_load %arg5[%get3A_157, %get3A_158] {strides = array<i32>} : memref<16x576xf32, #tpu.memory_space<vmem>>, vector<1x16xf32>,
      %get3A_160 = vector.shape_cast %get3A_159 : vector<1x16xf32> to vector<16xf32>
      %gt3A_161 = arith.cmpf ogt, %get3A_160, %select_n3A_152 : vector<16xf32>
      %select_n3A_162 = arith.select %gt3A_161, %get3A_160, %select_n3A_152 : vector<16xi1>, vector<16xf32>
      %broadcast_in_dim3A_163 = arith.constant 12 : i32
      %broadcast_in_dim3A_164 = vector.broadcast %broadcast_in_dim3A_163 : i32 to vector<16xi32>
      %select_n3A_165 = arith.select %gt3A_161, %broadcast_in_dim3A_164, %select_n3A_155 : vector<16xi1>, vector<16xi32>
      %get3A_166 = arith.constant 13 : i32
      %get3A_167 = arith.index_cast %get3A_166 : i32 to index
      %get3A_168 = arith.index_cast %mul3A_42 : i32 to index
      %get3A_169 = tpu.vector_load %arg5[%get3A_167, %get3A_168] {strides = array<i32>} : memref<16x576xf32, #tpu.memory_space<vmem>>, vector<1x16xf32>,
      %get3A_170 = vector.shape_cast %get3A_169 : vector<1x16xf32> to vector<16xf32>
      %gt3A_171 = arith.cmpf ogt, %get3A_170, %select_n3A_162 : vector<16xf32>
      %select_n3A_172 = arith.select %gt3A_171, %get3A_170, %select_n3A_162 : vector<16xi1>, vector<16xf32>
      %broadcast_in_dim3A_173 = arith.constant 13 : i32
      %broadcast_in_dim3A_174 = vector.broadcast %broadcast_in_dim3A_173 : i32 to vector<16xi32>
      %select_n3A_175 = arith.select %gt3A_171, %broadcast_in_dim3A_174, %select_n3A_165 : vector<16xi1>, vector<16xi32>
      %get3A_176 = arith.constant 14 : i32
      %get3A_177 = arith.index_cast %get3A_176 : i32 to index
      %get3A_178 = arith.index_cast %mul3A_42 : i32 to index
      %get3A_179 = tpu.vector_load %arg5[%get3A_177, %get3A_178] {strides = array<i32>} : memref<16x576xf32, #tpu.memory_space<vmem>>, vector<1x16xf32>,
      %get3A_180 = vector.shape_cast %get3A_179 : vector<1x16xf32> to vector<16xf32>
      %gt3A_181 = arith.cmpf ogt, %get3A_180, %select_n3A_172 : vector<16xf32>
      %select_n3A_182 = arith.select %gt3A_181, %get3A_180, %select_n3A_172 : vector<16xi1>, vector<16xf32>
      %broadcast_in_dim3A_183 = arith.constant 14 : i32
      %broadcast_in_dim3A_184 = vector.broadcast %broadcast_in_dim3A_183 : i32 to vector<16xi32>
      %select_n3A_185 = arith.select %gt3A_181, %broadcast_in_dim3A_184, %select_n3A_175 : vector<16xi1>, vector<16xi32>
      %get3A_186 = arith.constant 15 : i32
      %get3A_187 = arith.index_cast %get3A_186 : i32 to index
      %get3A_188 = arith.index_cast %mul3A_42 : i32 to index
      %get3A_189 = tpu.vector_load %arg5[%get3A_187, %get3A_188] {strides = array<i32>} : memref<16x576xf32, #tpu.memory_space<vmem>>, vector<1x16xf32>,
      %get3A_190 = vector.shape_cast %get3A_189 : vector<1x16xf32> to vector<16xf32>
      %gt3A_191 = arith.cmpf ogt, %get3A_190, %select_n3A_182 : vector<16xf32>
      %select_n3A_192 = arith.select %gt3A_191, %get3A_190, %select_n3A_182 : vector<16xi1>, vector<16xf32>
      %broadcast_in_dim3A_193 = arith.constant 15 : i32
      %broadcast_in_dim3A_194 = vector.broadcast %broadcast_in_dim3A_193 : i32 to vector<16xi32>
      %select_n3A_195 = arith.select %gt3A_191, %broadcast_in_dim3A_194, %select_n3A_185 : vector<16xi1>, vector<16xi32>
      %swap3A = arith.index_cast %mul3A_42 : i32 to index
      %swap3A_196 = tpu.vector_load %arg6[%swap3A] {strides = array<i32>} : memref<576xi32, #tpu.memory_space<vmem>>, vector<16xi32>,
      %swap3A_197 = vector.shape_cast %swap3A_196 : vector<16xi32> to vector<16xi32>
      %swap3A_198 = vector.shape_cast %select_n3A_195 : vector<16xi32> to vector<16xi32>
      tpu.vector_store %arg6[%swap3A], %swap3A_198 {strides = array<i32>} : memref<576xi32, #tpu.memory_space<vmem>>, vector<16xi32>,
      %swap3A_199 = arith.index_cast %mul3A_42 : i32 to index
      %swap3A_200 = tpu.vector_load %arg7[%swap3A_199] {strides = array<i32>} : memref<576xf32, #tpu.memory_space<vmem>>, vector<16xf32>,
      %swap3A_201 = vector.shape_cast %swap3A_200 : vector<16xf32> to vector<16xf32>
      %swap3A_202 = vector.shape_cast %select_n3A_192 : vector<16xf32> to vector<16xf32>
      tpu.vector_store %arg7[%swap3A_199], %swap3A_202 {strides = array<i32>} : memref<576xf32, #tpu.memory_space<vmem>>, vector<16xf32>,
    }
    %scan3A_19 = arith.constant 36 : i32
    "tpu.region"() ({
      %run_scoped3A = tpu.sem_alloc : memref<!tpu.dma_semaphore, #tpu.memory_space<semaphore_mem>>
      %dma_start3A = arith.constant 0 : i32
      %dma_start3A_40 = tpu.memref_slice %arg3[%add3A_13, %dma_start3A] : memref<128x576xi32, #tpu.memory_space<hbm>> -> memref<1x576xi32, #tpu.memory_space<hbm>>
      %dma_start3A_41 = tpu.memref_squeeze %dma_start3A_40 : memref<1x576xi32, #tpu.memory_space<hbm>> -> memref<576xi32, #tpu.memory_space<hbm>>
      %dma_start3A_42 = arith.constant 0 : i32
      %dma_start3A_43 = tpu.memref_slice %arg3[%add3A_13, %dma_start3A_42] : memref<128x576xi32, #tpu.memory_space<hbm>> -> memref<1x576xi32, #tpu.memory_space<hbm>>
      %dma_start3A_44 = tpu.memref_squeeze %dma_start3A_43 : memref<1x576xi32, #tpu.memory_space<hbm>> -> memref<576xi32, #tpu.memory_space<hbm>>
      tpu.enqueue_dma source(%arg6 : memref<576xi32, #tpu.memory_space<vmem>>) target(%dma_start3A_44 : memref<576xi32, #tpu.memory_space<hbm>>) target_semaphore(%run_scoped3A : memref<!tpu.dma_semaphore, #tpu.memory_space<semaphore_mem>>)
      %dma_wait3A = arith.constant 0 : i32
      %dma_wait3A_45 = tpu.memref_slice %arg3[%add3A_13, %dma_wait3A] : memref<128x576xi32, #tpu.memory_space<hbm>> -> memref<1x576xi32, #tpu.memory_space<hbm>>
      %dma_wait3A_46 = tpu.memref_squeeze %dma_wait3A_45 : memref<1x576xi32, #tpu.memory_space<hbm>> -> memref<576xi32, #tpu.memory_space<hbm>>
      %dma_wait3A_47 = arith.constant 0 : i32
      %dma_wait3A_48 = tpu.memref_slice %arg3[%add3A_13, %dma_wait3A_47] : memref<128x576xi32, #tpu.memory_space<hbm>> -> memref<1x576xi32, #tpu.memory_space<hbm>>
      %dma_wait3A_49 = tpu.memref_squeeze %dma_wait3A_48 : memref<1x576xi32, #tpu.memory_space<hbm>> -> memref<576xi32, #tpu.memory_space<hbm>>
      tpu.wait_dma2 semaphore(%run_scoped3A : memref<!tpu.dma_semaphore, #tpu.memory_space<semaphore_mem>>) src(%arg6 : memref<576xi32, #tpu.memory_space<vmem>>) dst(%dma_wait3A_49 : memref<576xi32, #tpu.memory_space<hbm>>)
      tpu.yield
    }) : () -> ()
    "tpu.region"() ({
      %run_scoped3A = tpu.sem_alloc : memref<!tpu.dma_semaphore, #tpu.memory_space<semaphore_mem>>
      %dma_start3A = arith.constant 0 : i32
      %dma_start3A_40 = tpu.memref_slice %arg4[%add3A_13, %dma_start3A] : memref<128x576xf32, #tpu.memory_space<hbm>> -> memref<1x576xf32, #tpu.memory_space<hbm>>
      %dma_start3A_41 = tpu.memref_squeeze %dma_start3A_40 : memref<1x576xf32, #tpu.memory_space<hbm>> -> memref<576xf32, #tpu.memory_space<hbm>>
      %dma_start3A_42 = arith.constant 0 : i32
      %dma_start3A_43 = tpu.memref_slice %arg4[%add3A_13, %dma_start3A_42] : memref<128x576xf32, #tpu.memory_space<hbm>> -> memref<1x576xf32, #tpu.memory_space<hbm>>
      %dma_start3A_44 = tpu.memref_squeeze %dma_start3A_43 : memref<1x576xf32, #tpu.memory_space<hbm>> -> memref<576xf32, #tpu.memory_space<hbm>>
      tpu.enqueue_dma source(%arg7 : memref<576xf32, #tpu.memory_space<vmem>>) target(%dma_start3A_44 : memref<576xf32, #tpu.memory_space<hbm>>) target_semaphore(%run_scoped3A : memref<!tpu.dma_semaphore, #tpu.memory_space<semaphore_mem>>)
      %dma_wait3A = arith.constant 0 : i32
      %dma_wait3A_45 = tpu.memref_slice %arg4[%add3A_13, %dma_wait3A] : memref<128x576xf32, #tpu.memory_space<hbm>> -> memref<1x576xf32, #tpu.memory_space<hbm>>
      %dma_wait3A_46 = tpu.memref_squeeze %dma_wait3A_45 : memref<1x576xf32, #tpu.memory_space<hbm>> -> memref<576xf32, #tpu.memory_space<hbm>>
      %dma_wait3A_47 = arith.constant 0 : i32
      %dma_wait3A_48 = tpu.memref_slice %arg4[%add3A_13, %dma_wait3A_47] : memref<128x576xf32, #tpu.memory_space<hbm>> -> memref<1x576xf32, #tpu.memory_space<hbm>>
      %dma_wait3A_49 = tpu.memref_squeeze %dma_wait3A_48 : memref<1x576xf32, #tpu.memory_space<hbm>> -> memref<576xf32, #tpu.memory_space<hbm>>
      tpu.wait_dma2 semaphore(%run_scoped3A : memref<!tpu.dma_semaphore, #tpu.memory_space<semaphore_mem>>) src(%arg7 : memref<576xf32, #tpu.memory_space<vmem>>) dst(%dma_wait3A_49 : memref<576xf32, #tpu.memory_space<hbm>>)
      tpu.yield
    }) : () -> ()
    %mul3A_20 = arith.constant 4 : i32
    %mul3A_21 = arith.muli %add3A, %mul3A_20 : i32
    %add3A_22 = arith.constant 2 : i32
    %add3A_23 = arith.addi %mul3A_21, %add3A_22 : i32
    "tpu.region"() ({
      %run_scoped3A = tpu.sem_alloc : memref<!tpu.dma_semaphore, #tpu.memory_space<semaphore_mem>>
      %dma_start3A = arith.constant 0 : i32
      %dma_start3A_40 = arith.constant 0 : i32
      %dma_start3A_41 = tpu.memref_slice %arg2[%add3A_23, %dma_start3A, %dma_start3A_40] : memref<128x16x576xf32, #tpu.memory_space<hbm>> -> memref<1x16x576xf32, #tpu.memory_space<hbm>>
      %dma_start3A_42 = tpu.memref_squeeze %dma_start3A_41 : memref<1x16x576xf32, #tpu.memory_space<hbm>> -> memref<16x576xf32, #tpu.memory_space<hbm>>
      %dma_start3A_43 = arith.constant 0 : i32
      %dma_start3A_44 = arith.constant 0 : i32
      %dma_start3A_45 = tpu.memref_slice %arg2[%add3A_23, %dma_start3A_43, %dma_start3A_44] : memref<128x16x576xf32, #tpu.memory_space<hbm>> -> memref<1x16x576xf32, #tpu.memory_space<hbm>>
      %dma_start3A_46 = tpu.memref_squeeze %dma_start3A_45 : memref<1x16x576xf32, #tpu.memory_space<hbm>> -> memref<16x576xf32, #tpu.memory_space<hbm>>
      tpu.enqueue_dma source(%dma_start3A_46 : memref<16x576xf32, #tpu.memory_space<hbm>>) target(%arg5 : memref<16x576xf32, #tpu.memory_space<vmem>>) target_semaphore(%run_scoped3A : memref<!tpu.dma_semaphore, #tpu.memory_space<semaphore_mem>>)
      %dma_wait3A = arith.constant 0 : i32
      %dma_wait3A_47 = arith.constant 0 : i32
      %dma_wait3A_48 = tpu.memref_slice %arg2[%add3A_23, %dma_wait3A, %dma_wait3A_47] : memref<128x16x576xf32, #tpu.memory_space<hbm>> -> memref<1x16x576xf32, #tpu.memory_space<hbm>>
      %dma_wait3A_49 = tpu.memref_squeeze %dma_wait3A_48 : memref<1x16x576xf32, #tpu.memory_space<hbm>> -> memref<16x576xf32, #tpu.memory_space<hbm>>
      %dma_wait3A_50 = arith.constant 0 : i32
      %dma_wait3A_51 = arith.constant 0 : i32
      %dma_wait3A_52 = tpu.memref_slice %arg2[%add3A_23, %dma_wait3A_50, %dma_wait3A_51] : memref<128x16x576xf32, #tpu.memory_space<hbm>> -> memref<1x16x576xf32, #tpu.memory_space<hbm>>
      %dma_wait3A_53 = tpu.memref_squeeze %dma_wait3A_52 : memref<1x16x576xf32, #tpu.memory_space<hbm>> -> memref<16x576xf32, #tpu.memory_space<hbm>>
      tpu.wait_dma2 semaphore(%run_scoped3A : memref<!tpu.dma_semaphore, #tpu.memory_space<semaphore_mem>>) src(%dma_wait3A_53 : memref<16x576xf32, #tpu.memory_space<hbm>>) dst(%arg5 : memref<16x576xf32, #tpu.memory_space<vmem>>)
      tpu.yield
    }) : () -> ()
    %scan3A_24 = arith.constant 0 : i32
    %scan3A_25 = arith.constant 0 : i32
    %scan3A_26 = arith.constant 36 : i32
    %scan3A_27 = arith.addi %scan3A_25, %scan3A_26 : i32
    %scan3A_28 = arith.constant 1 : i32
    scf.for %scan3A_40 = %scan3A_25 to %scan3A_27 step %scan3A_28  : i32 {
      %mul3A_41 = arith.constant 16 : i32
      %mul3A_42 = arith.muli %scan3A_40, %mul3A_41 : i32
      %get3A = arith.constant 0 : i32
      %get3A_43 = arith.index_cast %get3A : i32 to index
      %get3A_44 = arith.index_cast %mul3A_42 : i32 to index
      %get3A_45 = tpu.vector_load %arg5[%get3A_43, %get3A_44] {strides = array<i32>} : memref<16x576xf32, #tpu.memory_space<vmem>>, vector<1x16xf32>,
      %get3A_46 = vector.shape_cast %get3A_45 : vector<1x16xf32> to vector<16xf32>
      %broadcast_in_dim3A = arith.constant 0 : i32
      %broadcast_in_dim3A_47 = vector.broadcast %broadcast_in_dim3A : i32 to vector<16xi32>
      %get3A_48 = arith.constant 1 : i32
      %get3A_49 = arith.index_cast %get3A_48 : i32 to index
      %get3A_50 = arith.index_cast %mul3A_42 : i32 to index
      %get3A_51 = tpu.vector_load %arg5[%get3A_49, %get3A_50] {strides = array<i32>} : memref<16x576xf32, #tpu.memory_space<vmem>>, vector<1x16xf32>,
      %get3A_52 = vector.shape_cast %get3A_51 : vector<1x16xf32> to vector<16xf32>
      %gt3A = arith.cmpf ogt, %get3A_52, %get3A_46 : vector<16xf32>
      %select_n3A = arith.select %gt3A, %get3A_52, %get3A_46 : vector<16xi1>, vector<16xf32>
      %broadcast_in_dim3A_53 = arith.constant 1 : i32
      %broadcast_in_dim3A_54 = vector.broadcast %broadcast_in_dim3A_53 : i32 to vector<16xi32>
      %select_n3A_55 = arith.select %gt3A, %broadcast_in_dim3A_54, %broadcast_in_dim3A_47 : vector<16xi1>, vector<16xi32>
      %get3A_56 = arith.constant 2 : i32
      %get3A_57 = arith.index_cast %get3A_56 : i32 to index
      %get3A_58 = arith.index_cast %mul3A_42 : i32 to index
      %get3A_59 = tpu.vector_load %arg5[%get3A_57, %get3A_58] {strides = array<i32>} : memref<16x576xf32, #tpu.memory_space<vmem>>, vector<1x16xf32>,
      %get3A_60 = vector.shape_cast %get3A_59 : vector<1x16xf32> to vector<16xf32>
      %gt3A_61 = arith.cmpf ogt, %get3A_60, %select_n3A : vector<16xf32>
      %select_n3A_62 = arith.select %gt3A_61, %get3A_60, %select_n3A : vector<16xi1>, vector<16xf32>
      %broadcast_in_dim3A_63 = arith.constant 2 : i32
      %broadcast_in_dim3A_64 = vector.broadcast %broadcast_in_dim3A_63 : i32 to vector<16xi32>
      %select_n3A_65 = arith.select %gt3A_61, %broadcast_in_dim3A_64, %select_n3A_55 : vector<16xi1>, vector<16xi32>
      %get3A_66 = arith.constant 3 : i32
      %get3A_67 = arith.index_cast %get3A_66 : i32 to index
      %get3A_68 = arith.index_cast %mul3A_42 : i32 to index
      %get3A_69 = tpu.vector_load %arg5[%get3A_67, %get3A_68] {strides = array<i32>} : memref<16x576xf32, #tpu.memory_space<vmem>>, vector<1x16xf32>,
      %get3A_70 = vector.shape_cast %get3A_69 : vector<1x16xf32> to vector<16xf32>
      %gt3A_71 = arith.cmpf ogt, %get3A_70, %select_n3A_62 : vector<16xf32>
      %select_n3A_72 = arith.select %gt3A_71, %get3A_70, %select_n3A_62 : vector<16xi1>, vector<16xf32>
      %broadcast_in_dim3A_73 = arith.constant 3 : i32
      %broadcast_in_dim3A_74 = vector.broadcast %broadcast_in_dim3A_73 : i32 to vector<16xi32>
      %select_n3A_75 = arith.select %gt3A_71, %broadcast_in_dim3A_74, %select_n3A_65 : vector<16xi1>, vector<16xi32>
      %get3A_76 = arith.constant 4 : i32
      %get3A_77 = arith.index_cast %get3A_76 : i32 to index
      %get3A_78 = arith.index_cast %mul3A_42 : i32 to index
      %get3A_79 = tpu.vector_load %arg5[%get3A_77, %get3A_78] {strides = array<i32>} : memref<16x576xf32, #tpu.memory_space<vmem>>, vector<1x16xf32>,
      %get3A_80 = vector.shape_cast %get3A_79 : vector<1x16xf32> to vector<16xf32>
      %gt3A_81 = arith.cmpf ogt, %get3A_80, %select_n3A_72 : vector<16xf32>
      %select_n3A_82 = arith.select %gt3A_81, %get3A_80, %select_n3A_72 : vector<16xi1>, vector<16xf32>
      %broadcast_in_dim3A_83 = arith.constant 4 : i32
      %broadcast_in_dim3A_84 = vector.broadcast %broadcast_in_dim3A_83 : i32 to vector<16xi32>
      %select_n3A_85 = arith.select %gt3A_81, %broadcast_in_dim3A_84, %select_n3A_75 : vector<16xi1>, vector<16xi32>
      %get3A_86 = arith.constant 5 : i32
      %get3A_87 = arith.index_cast %get3A_86 : i32 to index
      %get3A_88 = arith.index_cast %mul3A_42 : i32 to index
      %get3A_89 = tpu.vector_load %arg5[%get3A_87, %get3A_88] {strides = array<i32>} : memref<16x576xf32, #tpu.memory_space<vmem>>, vector<1x16xf32>,
      %get3A_90 = vector.shape_cast %get3A_89 : vector<1x16xf32> to vector<16xf32>
      %gt3A_91 = arith.cmpf ogt, %get3A_90, %select_n3A_82 : vector<16xf32>
      %select_n3A_92 = arith.select %gt3A_91, %get3A_90, %select_n3A_82 : vector<16xi1>, vector<16xf32>
      %broadcast_in_dim3A_93 = arith.constant 5 : i32
      %broadcast_in_dim3A_94 = vector.broadcast %broadcast_in_dim3A_93 : i32 to vector<16xi32>
      %select_n3A_95 = arith.select %gt3A_91, %broadcast_in_dim3A_94, %select_n3A_85 : vector<16xi1>, vector<16xi32>
      %get3A_96 = arith.constant 6 : i32
      %get3A_97 = arith.index_cast %get3A_96 : i32 to index
      %get3A_98 = arith.index_cast %mul3A_42 : i32 to index
      %get3A_99 = tpu.vector_load %arg5[%get3A_97, %get3A_98] {strides = array<i32>} : memref<16x576xf32, #tpu.memory_space<vmem>>, vector<1x16xf32>,
      %get3A_100 = vector.shape_cast %get3A_99 : vector<1x16xf32> to vector<16xf32>
      %gt3A_101 = arith.cmpf ogt, %get3A_100, %select_n3A_92 : vector<16xf32>
      %select_n3A_102 = arith.select %gt3A_101, %get3A_100, %select_n3A_92 : vector<16xi1>, vector<16xf32>
      %broadcast_in_dim3A_103 = arith.constant 6 : i32
      %broadcast_in_dim3A_104 = vector.broadcast %broadcast_in_dim3A_103 : i32 to vector<16xi32>
      %select_n3A_105 = arith.select %gt3A_101, %broadcast_in_dim3A_104, %select_n3A_95 : vector<16xi1>, vector<16xi32>
      %get3A_106 = arith.constant 7 : i32
      %get3A_107 = arith.index_cast %get3A_106 : i32 to index
      %get3A_108 = arith.index_cast %mul3A_42 : i32 to index
      %get3A_109 = tpu.vector_load %arg5[%get3A_107, %get3A_108] {strides = array<i32>} : memref<16x576xf32, #tpu.memory_space<vmem>>, vector<1x16xf32>,
      %get3A_110 = vector.shape_cast %get3A_109 : vector<1x16xf32> to vector<16xf32>
      %gt3A_111 = arith.cmpf ogt, %get3A_110, %select_n3A_102 : vector<16xf32>
      %select_n3A_112 = arith.select %gt3A_111, %get3A_110, %select_n3A_102 : vector<16xi1>, vector<16xf32>
      %broadcast_in_dim3A_113 = arith.constant 7 : i32
      %broadcast_in_dim3A_114 = vector.broadcast %broadcast_in_dim3A_113 : i32 to vector<16xi32>
      %select_n3A_115 = arith.select %gt3A_111, %broadcast_in_dim3A_114, %select_n3A_105 : vector<16xi1>, vector<16xi32>
      %get3A_116 = arith.constant 8 : i32
      %get3A_117 = arith.index_cast %get3A_116 : i32 to index
      %get3A_118 = arith.index_cast %mul3A_42 : i32 to index
      %get3A_119 = tpu.vector_load %arg5[%get3A_117, %get3A_118] {strides = array<i32>} : memref<16x576xf32, #tpu.memory_space<vmem>>, vector<1x16xf32>,
      %get3A_120 = vector.shape_cast %get3A_119 : vector<1x16xf32> to vector<16xf32>
      %gt3A_121 = arith.cmpf ogt, %get3A_120, %select_n3A_112 : vector<16xf32>
      %select_n3A_122 = arith.select %gt3A_121, %get3A_120, %select_n3A_112 : vector<16xi1>, vector<16xf32>
      %broadcast_in_dim3A_123 = arith.constant 8 : i32
      %broadcast_in_dim3A_124 = vector.broadcast %broadcast_in_dim3A_123 : i32 to vector<16xi32>
      %select_n3A_125 = arith.select %gt3A_121, %broadcast_in_dim3A_124, %select_n3A_115 : vector<16xi1>, vector<16xi32>
      %get3A_126 = arith.constant 9 : i32
      %get3A_127 = arith.index_cast %get3A_126 : i32 to index
      %get3A_128 = arith.index_cast %mul3A_42 : i32 to index
      %get3A_129 = tpu.vector_load %arg5[%get3A_127, %get3A_128] {strides = array<i32>} : memref<16x576xf32, #tpu.memory_space<vmem>>, vector<1x16xf32>,
      %get3A_130 = vector.shape_cast %get3A_129 : vector<1x16xf32> to vector<16xf32>
      %gt3A_131 = arith.cmpf ogt, %get3A_130, %select_n3A_122 : vector<16xf32>
      %select_n3A_132 = arith.select %gt3A_131, %get3A_130, %select_n3A_122 : vector<16xi1>, vector<16xf32>
      %broadcast_in_dim3A_133 = arith.constant 9 : i32
      %broadcast_in_dim3A_134 = vector.broadcast %broadcast_in_dim3A_133 : i32 to vector<16xi32>
      %select_n3A_135 = arith.select %gt3A_131, %broadcast_in_dim3A_134, %select_n3A_125 : vector<16xi1>, vector<16xi32>
      %get3A_136 = arith.constant 10 : i32
      %get3A_137 = arith.index_cast %get3A_136 : i32 to index
      %get3A_138 = arith.index_cast %mul3A_42 : i32 to index
      %get3A_139 = tpu.vector_load %arg5[%get3A_137, %get3A_138] {strides = array<i32>} : memref<16x576xf32, #tpu.memory_space<vmem>>, vector<1x16xf32>,
      %get3A_140 = vector.shape_cast %get3A_139 : vector<1x16xf32> to vector<16xf32>
      %gt3A_141 = arith.cmpf ogt, %get3A_140, %select_n3A_132 : vector<16xf32>
      %select_n3A_142 = arith.select %gt3A_141, %get3A_140, %select_n3A_132 : vector<16xi1>, vector<16xf32>
      %broadcast_in_dim3A_143 = arith.constant 10 : i32
      %broadcast_in_dim3A_144 = vector.broadcast %broadcast_in_dim3A_143 : i32 to vector<16xi32>
      %select_n3A_145 = arith.select %gt3A_141, %broadcast_in_dim3A_144, %select_n3A_135 : vector<16xi1>, vector<16xi32>
      %get3A_146 = arith.constant 11 : i32
      %get3A_147 = arith.index_cast %get3A_146 : i32 to index
      %get3A_148 = arith.index_cast %mul3A_42 : i32 to index
      %get3A_149 = tpu.vector_load %arg5[%get3A_147, %get3A_148] {strides = array<i32>} : memref<16x576xf32, #tpu.memory_space<vmem>>, vector<1x16xf32>,
      %get3A_150 = vector.shape_cast %get3A_149 : vector<1x16xf32> to vector<16xf32>
      %gt3A_151 = arith.cmpf ogt, %get3A_150, %select_n3A_142 : vector<16xf32>
      %select_n3A_152 = arith.select %gt3A_151, %get3A_150, %select_n3A_142 : vector<16xi1>, vector<16xf32>
      %broadcast_in_dim3A_153 = arith.constant 11 : i32
      %broadcast_in_dim3A_154 = vector.broadcast %broadcast_in_dim3A_153 : i32 to vector<16xi32>
      %select_n3A_155 = arith.select %gt3A_151, %broadcast_in_dim3A_154, %select_n3A_145 : vector<16xi1>, vector<16xi32>
      %get3A_156 = arith.constant 12 : i32
      %get3A_157 = arith.index_cast %get3A_156 : i32 to index
      %get3A_158 = arith.index_cast %mul3A_42 : i32 to index
      %get3A_159 = tpu.vector_load %arg5[%get3A_157, %get3A_158] {strides = array<i32>} : memref<16x576xf32, #tpu.memory_space<vmem>>, vector<1x16xf32>,
      %get3A_160 = vector.shape_cast %get3A_159 : vector<1x16xf32> to vector<16xf32>
      %gt3A_161 = arith.cmpf ogt, %get3A_160, %select_n3A_152 : vector<16xf32>
      %select_n3A_162 = arith.select %gt3A_161, %get3A_160, %select_n3A_152 : vector<16xi1>, vector<16xf32>
      %broadcast_in_dim3A_163 = arith.constant 12 : i32
      %broadcast_in_dim3A_164 = vector.broadcast %broadcast_in_dim3A_163 : i32 to vector<16xi32>
      %select_n3A_165 = arith.select %gt3A_161, %broadcast_in_dim3A_164, %select_n3A_155 : vector<16xi1>, vector<16xi32>
      %get3A_166 = arith.constant 13 : i32
      %get3A_167 = arith.index_cast %get3A_166 : i32 to index
      %get3A_168 = arith.index_cast %mul3A_42 : i32 to index
      %get3A_169 = tpu.vector_load %arg5[%get3A_167, %get3A_168] {strides = array<i32>} : memref<16x576xf32, #tpu.memory_space<vmem>>, vector<1x16xf32>,
      %get3A_170 = vector.shape_cast %get3A_169 : vector<1x16xf32> to vector<16xf32>
      %gt3A_171 = arith.cmpf ogt, %get3A_170, %select_n3A_162 : vector<16xf32>
      %select_n3A_172 = arith.select %gt3A_171, %get3A_170, %select_n3A_162 : vector<16xi1>, vector<16xf32>
      %broadcast_in_dim3A_173 = arith.constant 13 : i32
      %broadcast_in_dim3A_174 = vector.broadcast %broadcast_in_dim3A_173 : i32 to vector<16xi32>
      %select_n3A_175 = arith.select %gt3A_171, %broadcast_in_dim3A_174, %select_n3A_165 : vector<16xi1>, vector<16xi32>
      %get3A_176 = arith.constant 14 : i32
      %get3A_177 = arith.index_cast %get3A_176 : i32 to index
      %get3A_178 = arith.index_cast %mul3A_42 : i32 to index
      %get3A_179 = tpu.vector_load %arg5[%get3A_177, %get3A_178] {strides = array<i32>} : memref<16x576xf32, #tpu.memory_space<vmem>>, vector<1x16xf32>,
      %get3A_180 = vector.shape_cast %get3A_179 : vector<1x16xf32> to vector<16xf32>
      %gt3A_181 = arith.cmpf ogt, %get3A_180, %select_n3A_172 : vector<16xf32>
      %select_n3A_182 = arith.select %gt3A_181, %get3A_180, %select_n3A_172 : vector<16xi1>, vector<16xf32>
      %broadcast_in_dim3A_183 = arith.constant 14 : i32
      %broadcast_in_dim3A_184 = vector.broadcast %broadcast_in_dim3A_183 : i32 to vector<16xi32>
      %select_n3A_185 = arith.select %gt3A_181, %broadcast_in_dim3A_184, %select_n3A_175 : vector<16xi1>, vector<16xi32>
      %get3A_186 = arith.constant 15 : i32
      %get3A_187 = arith.index_cast %get3A_186 : i32 to index
      %get3A_188 = arith.index_cast %mul3A_42 : i32 to index
      %get3A_189 = tpu.vector_load %arg5[%get3A_187, %get3A_188] {strides = array<i32>} : memref<16x576xf32, #tpu.memory_space<vmem>>, vector<1x16xf32>,
      %get3A_190 = vector.shape_cast %get3A_189 : vector<1x16xf32> to vector<16xf32>
      %gt3A_191 = arith.cmpf ogt, %get3A_190, %select_n3A_182 : vector<16xf32>
      %select_n3A_192 = arith.select %gt3A_191, %get3A_190, %select_n3A_182 : vector<16xi1>, vector<16xf32>
      %broadcast_in_dim3A_193 = arith.constant 15 : i32
      %broadcast_in_dim3A_194 = vector.broadcast %broadcast_in_dim3A_193 : i32 to vector<16xi32>
      %select_n3A_195 = arith.select %gt3A_191, %broadcast_in_dim3A_194, %select_n3A_185 : vector<16xi1>, vector<16xi32>
      %swap3A = arith.index_cast %mul3A_42 : i32 to index
      %swap3A_196 = tpu.vector_load %arg6[%swap3A] {strides = array<i32>} : memref<576xi32, #tpu.memory_space<vmem>>, vector<16xi32>,
      %swap3A_197 = vector.shape_cast %swap3A_196 : vector<16xi32> to vector<16xi32>
      %swap3A_198 = vector.shape_cast %select_n3A_195 : vector<16xi32> to vector<16xi32>
      tpu.vector_store %arg6[%swap3A], %swap3A_198 {strides = array<i32>} : memref<576xi32, #tpu.memory_space<vmem>>, vector<16xi32>,
      %swap3A_199 = arith.index_cast %mul3A_42 : i32 to index
      %swap3A_200 = tpu.vector_load %arg7[%swap3A_199] {strides = array<i32>} : memref<576xf32, #tpu.memory_space<vmem>>, vector<16xf32>,
      %swap3A_201 = vector.shape_cast %swap3A_200 : vector<16xf32> to vector<16xf32>
      %swap3A_202 = vector.shape_cast %select_n3A_192 : vector<16xf32> to vector<16xf32>
      tpu.vector_store %arg7[%swap3A_199], %swap3A_202 {strides = array<i32>} : memref<576xf32, #tpu.memory_space<vmem>>, vector<16xf32>,
    }
    %scan3A_29 = arith.constant 36 : i32
    "tpu.region"() ({
      %run_scoped3A = tpu.sem_alloc : memref<!tpu.dma_semaphore, #tpu.memory_space<semaphore_mem>>
      %dma_start3A = arith.constant 0 : i32
      %dma_start3A_40 = tpu.memref_slice %arg3[%add3A_23, %dma_start3A] : memref<128x576xi32, #tpu.memory_space<hbm>> -> memref<1x576xi32, #tpu.memory_space<hbm>>
      %dma_start3A_41 = tpu.memref_squeeze %dma_start3A_40 : memref<1x576xi32, #tpu.memory_space<hbm>> -> memref<576xi32, #tpu.memory_space<hbm>>
      %dma_start3A_42 = arith.constant 0 : i32
      %dma_start3A_43 = tpu.memref_slice %arg3[%add3A_23, %dma_start3A_42] : memref<128x576xi32, #tpu.memory_space<hbm>> -> memref<1x576xi32, #tpu.memory_space<hbm>>
      %dma_start3A_44 = tpu.memref_squeeze %dma_start3A_43 : memref<1x576xi32, #tpu.memory_space<hbm>> -> memref<576xi32, #tpu.memory_space<hbm>>
      tpu.enqueue_dma source(%arg6 : memref<576xi32, #tpu.memory_space<vmem>>) target(%dma_start3A_44 : memref<576xi32, #tpu.memory_space<hbm>>) target_semaphore(%run_scoped3A : memref<!tpu.dma_semaphore, #tpu.memory_space<semaphore_mem>>)
      %dma_wait3A = arith.constant 0 : i32
      %dma_wait3A_45 = tpu.memref_slice %arg3[%add3A_23, %dma_wait3A] : memref<128x576xi32, #tpu.memory_space<hbm>> -> memref<1x576xi32, #tpu.memory_space<hbm>>
      %dma_wait3A_46 = tpu.memref_squeeze %dma_wait3A_45 : memref<1x576xi32, #tpu.memory_space<hbm>> -> memref<576xi32, #tpu.memory_space<hbm>>
      %dma_wait3A_47 = arith.constant 0 : i32
      %dma_wait3A_48 = tpu.memref_slice %arg3[%add3A_23, %dma_wait3A_47] : memref<128x576xi32, #tpu.memory_space<hbm>> -> memref<1x576xi32, #tpu.memory_space<hbm>>
      %dma_wait3A_49 = tpu.memref_squeeze %dma_wait3A_48 : memref<1x576xi32, #tpu.memory_space<hbm>> -> memref<576xi32, #tpu.memory_space<hbm>>
      tpu.wait_dma2 semaphore(%run_scoped3A : memref<!tpu.dma_semaphore, #tpu.memory_space<semaphore_mem>>) src(%arg6 : memref<576xi32, #tpu.memory_space<vmem>>) dst(%dma_wait3A_49 : memref<576xi32, #tpu.memory_space<hbm>>)
      tpu.yield
    }) : () -> ()
    "tpu.region"() ({
      %run_scoped3A = tpu.sem_alloc : memref<!tpu.dma_semaphore, #tpu.memory_space<semaphore_mem>>
      %dma_start3A = arith.constant 0 : i32
      %dma_start3A_40 = tpu.memref_slice %arg4[%add3A_23, %dma_start3A] : memref<128x576xf32, #tpu.memory_space<hbm>> -> memref<1x576xf32, #tpu.memory_space<hbm>>
      %dma_start3A_41 = tpu.memref_squeeze %dma_start3A_40 : memref<1x576xf32, #tpu.memory_space<hbm>> -> memref<576xf32, #tpu.memory_space<hbm>>
      %dma_start3A_42 = arith.constant 0 : i32
      %dma_start3A_43 = tpu.memref_slice %arg4[%add3A_23, %dma_start3A_42] : memref<128x576xf32, #tpu.memory_space<hbm>> -> memref<1x576xf32, #tpu.memory_space<hbm>>
      %dma_start3A_44 = tpu.memref_squeeze %dma_start3A_43 : memref<1x576xf32, #tpu.memory_space<hbm>> -> memref<576xf32, #tpu.memory_space<hbm>>
      tpu.enqueue_dma source(%arg7 : memref<576xf32, #tpu.memory_space<vmem>>) target(%dma_start3A_44 : memref<576xf32, #tpu.memory_space<hbm>>) target_semaphore(%run_scoped3A : memref<!tpu.dma_semaphore, #tpu.memory_space<semaphore_mem>>)
      %dma_wait3A = arith.constant 0 : i32
      %dma_wait3A_45 = tpu.memref_slice %arg4[%add3A_23, %dma_wait3A] : memref<128x576xf32, #tpu.memory_space<hbm>> -> memref<1x576xf32, #tpu.memory_space<hbm>>
      %dma_wait3A_46 = tpu.memref_squeeze %dma_wait3A_45 : memref<1x576xf32, #tpu.memory_space<hbm>> -> memref<576xf32, #tpu.memory_space<hbm>>
      %dma_wait3A_47 = arith.constant 0 : i32
      %dma_wait3A_48 = tpu.memref_slice %arg4[%add3A_23, %dma_wait3A_47] : memref<128x576xf32, #tpu.memory_space<hbm>> -> memref<1x576xf32, #tpu.memory_space<hbm>>
      %dma_wait3A_49 = tpu.memref_squeeze %dma_wait3A_48 : memref<1x576xf32, #tpu.memory_space<hbm>> -> memref<576xf32, #tpu.memory_space<hbm>>
      tpu.wait_dma2 semaphore(%run_scoped3A : memref<!tpu.dma_semaphore, #tpu.memory_space<semaphore_mem>>) src(%arg7 : memref<576xf32, #tpu.memory_space<vmem>>) dst(%dma_wait3A_49 : memref<576xf32, #tpu.memory_space<hbm>>)
      tpu.yield
    }) : () -> ()
    %mul3A_30 = arith.constant 4 : i32
    %mul3A_31 = arith.muli %add3A, %mul3A_30 : i32
    %add3A_32 = arith.constant 3 : i32
    %add3A_33 = arith.addi %mul3A_31, %add3A_32 : i32
    "tpu.region"() ({
      %run_scoped3A = tpu.sem_alloc : memref<!tpu.dma_semaphore, #tpu.memory_space<semaphore_mem>>
      %dma_start3A = arith.constant 0 : i32
      %dma_start3A_40 = arith.constant 0 : i32
      %dma_start3A_41 = tpu.memref_slice %arg2[%add3A_33, %dma_start3A, %dma_start3A_40] : memref<128x16x576xf32, #tpu.memory_space<hbm>> -> memref<1x16x576xf32, #tpu.memory_space<hbm>>
      %dma_start3A_42 = tpu.memref_squeeze %dma_start3A_41 : memref<1x16x576xf32, #tpu.memory_space<hbm>> -> memref<16x576xf32, #tpu.memory_space<hbm>>
      %dma_start3A_43 = arith.constant 0 : i32
      %dma_start3A_44 = arith.constant 0 : i32
      %dma_start3A_45 = tpu.memref_slice %arg2[%add3A_33, %dma_start3A_43, %dma_start3A_44] : memref<128x16x576xf32, #tpu.memory_space<hbm>> -> memref<1x16x576xf32, #tpu.memory_space<hbm>>
      %dma_start3A_46 = tpu.memref_squeeze %dma_start3A_45 : memref<1x16x576xf32, #tpu.memory_space<hbm>> -> memref<16x576xf32, #tpu.memory_space<hbm>>
      tpu.enqueue_dma source(%dma_start3A_46 : memref<16x576xf32, #tpu.memory_space<hbm>>) target(%arg5 : memref<16x576xf32, #tpu.memory_space<vmem>>) target_semaphore(%run_scoped3A : memref<!tpu.dma_semaphore, #tpu.memory_space<semaphore_mem>>)
      %dma_wait3A = arith.constant 0 : i32
      %dma_wait3A_47 = arith.constant 0 : i32
      %dma_wait3A_48 = tpu.memref_slice %arg2[%add3A_33, %dma_wait3A, %dma_wait3A_47] : memref<128x16x576xf32, #tpu.memory_space<hbm>> -> memref<1x16x576xf32, #tpu.memory_space<hbm>>
      %dma_wait3A_49 = tpu.memref_squeeze %dma_wait3A_48 : memref<1x16x576xf32, #tpu.memory_space<hbm>> -> memref<16x576xf32, #tpu.memory_space<hbm>>
      %dma_wait3A_50 = arith.constant 0 : i32
      %dma_wait3A_51 = arith.constant 0 : i32
      %dma_wait3A_52 = tpu.memref_slice %arg2[%add3A_33, %dma_wait3A_50, %dma_wait3A_51] : memref<128x16x576xf32, #tpu.memory_space<hbm>> -> memref<1x16x576xf32, #tpu.memory_space<hbm>>
      %dma_wait3A_53 = tpu.memref_squeeze %dma_wait3A_52 : memref<1x16x576xf32, #tpu.memory_space<hbm>> -> memref<16x576xf32, #tpu.memory_space<hbm>>
      tpu.wait_dma2 semaphore(%run_scoped3A : memref<!tpu.dma_semaphore, #tpu.memory_space<semaphore_mem>>) src(%dma_wait3A_53 : memref<16x576xf32, #tpu.memory_space<hbm>>) dst(%arg5 : memref<16x576xf32, #tpu.memory_space<vmem>>)
      tpu.yield
    }) : () -> ()
    %scan3A_34 = arith.constant 0 : i32
    %scan3A_35 = arith.constant 0 : i32
    %scan3A_36 = arith.constant 36 : i32
    %scan3A_37 = arith.addi %scan3A_35, %scan3A_36 : i32
    %scan3A_38 = arith.constant 1 : i32
    scf.for %scan3A_40 = %scan3A_35 to %scan3A_37 step %scan3A_38  : i32 {
      %mul3A_41 = arith.constant 16 : i32
      %mul3A_42 = arith.muli %scan3A_40, %mul3A_41 : i32
      %get3A = arith.constant 0 : i32
      %get3A_43 = arith.index_cast %get3A : i32 to index
      %get3A_44 = arith.index_cast %mul3A_42 : i32 to index
      %get3A_45 = tpu.vector_load %arg5[%get3A_43, %get3A_44] {strides = array<i32>} : memref<16x576xf32, #tpu.memory_space<vmem>>, vector<1x16xf32>,
      %get3A_46 = vector.shape_cast %get3A_45 : vector<1x16xf32> to vector<16xf32>
      %broadcast_in_dim3A = arith.constant 0 : i32
      %broadcast_in_dim3A_47 = vector.broadcast %broadcast_in_dim3A : i32 to vector<16xi32>
      %get3A_48 = arith.constant 1 : i32
      %get3A_49 = arith.index_cast %get3A_48 : i32 to index
      %get3A_50 = arith.index_cast %mul3A_42 : i32 to index
      %get3A_51 = tpu.vector_load %arg5[%get3A_49, %get3A_50] {strides = array<i32>} : memref<16x576xf32, #tpu.memory_space<vmem>>, vector<1x16xf32>,
      %get3A_52 = vector.shape_cast %get3A_51 : vector<1x16xf32> to vector<16xf32>
      %gt3A = arith.cmpf ogt, %get3A_52, %get3A_46 : vector<16xf32>
      %select_n3A = arith.select %gt3A, %get3A_52, %get3A_46 : vector<16xi1>, vector<16xf32>
      %broadcast_in_dim3A_53 = arith.constant 1 : i32
      %broadcast_in_dim3A_54 = vector.broadcast %broadcast_in_dim3A_53 : i32 to vector<16xi32>
      %select_n3A_55 = arith.select %gt3A, %broadcast_in_dim3A_54, %broadcast_in_dim3A_47 : vector<16xi1>, vector<16xi32>
      %get3A_56 = arith.constant 2 : i32
      %get3A_57 = arith.index_cast %get3A_56 : i32 to index
      %get3A_58 = arith.index_cast %mul3A_42 : i32 to index
      %get3A_59 = tpu.vector_load %arg5[%get3A_57, %get3A_58] {strides = array<i32>} : memref<16x576xf32, #tpu.memory_space<vmem>>, vector<1x16xf32>,
      %get3A_60 = vector.shape_cast %get3A_59 : vector<1x16xf32> to vector<16xf32>
      %gt3A_61 = arith.cmpf ogt, %get3A_60, %select_n3A : vector<16xf32>
      %select_n3A_62 = arith.select %gt3A_61, %get3A_60, %select_n3A : vector<16xi1>, vector<16xf32>
      %broadcast_in_dim3A_63 = arith.constant 2 : i32
      %broadcast_in_dim3A_64 = vector.broadcast %broadcast_in_dim3A_63 : i32 to vector<16xi32>
      %select_n3A_65 = arith.select %gt3A_61, %broadcast_in_dim3A_64, %select_n3A_55 : vector<16xi1>, vector<16xi32>
      %get3A_66 = arith.constant 3 : i32
      %get3A_67 = arith.index_cast %get3A_66 : i32 to index
      %get3A_68 = arith.index_cast %mul3A_42 : i32 to index
      %get3A_69 = tpu.vector_load %arg5[%get3A_67, %get3A_68] {strides = array<i32>} : memref<16x576xf32, #tpu.memory_space<vmem>>, vector<1x16xf32>,
      %get3A_70 = vector.shape_cast %get3A_69 : vector<1x16xf32> to vector<16xf32>
      %gt3A_71 = arith.cmpf ogt, %get3A_70, %select_n3A_62 : vector<16xf32>
      %select_n3A_72 = arith.select %gt3A_71, %get3A_70, %select_n3A_62 : vector<16xi1>, vector<16xf32>
      %broadcast_in_dim3A_73 = arith.constant 3 : i32
      %broadcast_in_dim3A_74 = vector.broadcast %broadcast_in_dim3A_73 : i32 to vector<16xi32>
      %select_n3A_75 = arith.select %gt3A_71, %broadcast_in_dim3A_74, %select_n3A_65 : vector<16xi1>, vector<16xi32>
      %get3A_76 = arith.constant 4 : i32
      %get3A_77 = arith.index_cast %get3A_76 : i32 to index
      %get3A_78 = arith.index_cast %mul3A_42 : i32 to index
      %get3A_79 = tpu.vector_load %arg5[%get3A_77, %get3A_78] {strides = array<i32>} : memref<16x576xf32, #tpu.memory_space<vmem>>, vector<1x16xf32>,
      %get3A_80 = vector.shape_cast %get3A_79 : vector<1x16xf32> to vector<16xf32>
      %gt3A_81 = arith.cmpf ogt, %get3A_80, %select_n3A_72 : vector<16xf32>
      %select_n3A_82 = arith.select %gt3A_81, %get3A_80, %select_n3A_72 : vector<16xi1>, vector<16xf32>
      %broadcast_in_dim3A_83 = arith.constant 4 : i32
      %broadcast_in_dim3A_84 = vector.broadcast %broadcast_in_dim3A_83 : i32 to vector<16xi32>
      %select_n3A_85 = arith.select %gt3A_81, %broadcast_in_dim3A_84, %select_n3A_75 : vector<16xi1>, vector<16xi32>
      %get3A_86 = arith.constant 5 : i32
      %get3A_87 = arith.index_cast %get3A_86 : i32 to index
      %get3A_88 = arith.index_cast %mul3A_42 : i32 to index
      %get3A_89 = tpu.vector_load %arg5[%get3A_87, %get3A_88] {strides = array<i32>} : memref<16x576xf32, #tpu.memory_space<vmem>>, vector<1x16xf32>,
      %get3A_90 = vector.shape_cast %get3A_89 : vector<1x16xf32> to vector<16xf32>
      %gt3A_91 = arith.cmpf ogt, %get3A_90, %select_n3A_82 : vector<16xf32>
      %select_n3A_92 = arith.select %gt3A_91, %get3A_90, %select_n3A_82 : vector<16xi1>, vector<16xf32>
      %broadcast_in_dim3A_93 = arith.constant 5 : i32
      %broadcast_in_dim3A_94 = vector.broadcast %broadcast_in_dim3A_93 : i32 to vector<16xi32>
      %select_n3A_95 = arith.select %gt3A_91, %broadcast_in_dim3A_94, %select_n3A_85 : vector<16xi1>, vector<16xi32>
      %get3A_96 = arith.constant 6 : i32
      %get3A_97 = arith.index_cast %get3A_96 : i32 to index
      %get3A_98 = arith.index_cast %mul3A_42 : i32 to index
      %get3A_99 = tpu.vector_load %arg5[%get3A_97, %get3A_98] {strides = array<i32>} : memref<16x576xf32, #tpu.memory_space<vmem>>, vector<1x16xf32>,
      %get3A_100 = vector.shape_cast %get3A_99 : vector<1x16xf32> to vector<16xf32>
      %gt3A_101 = arith.cmpf ogt, %get3A_100, %select_n3A_92 : vector<16xf32>
      %select_n3A_102 = arith.select %gt3A_101, %get3A_100, %select_n3A_92 : vector<16xi1>, vector<16xf32>
      %broadcast_in_dim3A_103 = arith.constant 6 : i32
      %broadcast_in_dim3A_104 = vector.broadcast %broadcast_in_dim3A_103 : i32 to vector<16xi32>
      %select_n3A_105 = arith.select %gt3A_101, %broadcast_in_dim3A_104, %select_n3A_95 : vector<16xi1>, vector<16xi32>
      %get3A_106 = arith.constant 7 : i32
      %get3A_107 = arith.index_cast %get3A_106 : i32 to index
      %get3A_108 = arith.index_cast %mul3A_42 : i32 to index
      %get3A_109 = tpu.vector_load %arg5[%get3A_107, %get3A_108] {strides = array<i32>} : memref<16x576xf32, #tpu.memory_space<vmem>>, vector<1x16xf32>,
      %get3A_110 = vector.shape_cast %get3A_109 : vector<1x16xf32> to vector<16xf32>
      %gt3A_111 = arith.cmpf ogt, %get3A_110, %select_n3A_102 : vector<16xf32>
      %select_n3A_112 = arith.select %gt3A_111, %get3A_110, %select_n3A_102 : vector<16xi1>, vector<16xf32>
      %broadcast_in_dim3A_113 = arith.constant 7 : i32
      %broadcast_in_dim3A_114 = vector.broadcast %broadcast_in_dim3A_113 : i32 to vector<16xi32>
      %select_n3A_115 = arith.select %gt3A_111, %broadcast_in_dim3A_114, %select_n3A_105 : vector<16xi1>, vector<16xi32>
      %get3A_116 = arith.constant 8 : i32
      %get3A_117 = arith.index_cast %get3A_116 : i32 to index
      %get3A_118 = arith.index_cast %mul3A_42 : i32 to index
      %get3A_119 = tpu.vector_load %arg5[%get3A_117, %get3A_118] {strides = array<i32>} : memref<16x576xf32, #tpu.memory_space<vmem>>, vector<1x16xf32>,
      %get3A_120 = vector.shape_cast %get3A_119 : vector<1x16xf32> to vector<16xf32>
      %gt3A_121 = arith.cmpf ogt, %get3A_120, %select_n3A_112 : vector<16xf32>
      %select_n3A_122 = arith.select %gt3A_121, %get3A_120, %select_n3A_112 : vector<16xi1>, vector<16xf32>
      %broadcast_in_dim3A_123 = arith.constant 8 : i32
      %broadcast_in_dim3A_124 = vector.broadcast %broadcast_in_dim3A_123 : i32 to vector<16xi32>
      %select_n3A_125 = arith.select %gt3A_121, %broadcast_in_dim3A_124, %select_n3A_115 : vector<16xi1>, vector<16xi32>
      %get3A_126 = arith.constant 9 : i32
      %get3A_127 = arith.index_cast %get3A_126 : i32 to index
      %get3A_128 = arith.index_cast %mul3A_42 : i32 to index
      %get3A_129 = tpu.vector_load %arg5[%get3A_127, %get3A_128] {strides = array<i32>} : memref<16x576xf32, #tpu.memory_space<vmem>>, vector<1x16xf32>,
      %get3A_130 = vector.shape_cast %get3A_129 : vector<1x16xf32> to vector<16xf32>
      %gt3A_131 = arith.cmpf ogt, %get3A_130, %select_n3A_122 : vector<16xf32>
      %select_n3A_132 = arith.select %gt3A_131, %get3A_130, %select_n3A_122 : vector<16xi1>, vector<16xf32>
      %broadcast_in_dim3A_133 = arith.constant 9 : i32
      %broadcast_in_dim3A_134 = vector.broadcast %broadcast_in_dim3A_133 : i32 to vector<16xi32>
      %select_n3A_135 = arith.select %gt3A_131, %broadcast_in_dim3A_134, %select_n3A_125 : vector<16xi1>, vector<16xi32>
      %get3A_136 = arith.constant 10 : i32
      %get3A_137 = arith.index_cast %get3A_136 : i32 to index
      %get3A_138 = arith.index_cast %mul3A_42 : i32 to index
      %get3A_139 = tpu.vector_load %arg5[%get3A_137, %get3A_138] {strides = array<i32>} : memref<16x576xf32, #tpu.memory_space<vmem>>, vector<1x16xf32>,
      %get3A_140 = vector.shape_cast %get3A_139 : vector<1x16xf32> to vector<16xf32>
      %gt3A_141 = arith.cmpf ogt, %get3A_140, %select_n3A_132 : vector<16xf32>
      %select_n3A_142 = arith.select %gt3A_141, %get3A_140, %select_n3A_132 : vector<16xi1>, vector<16xf32>
      %broadcast_in_dim3A_143 = arith.constant 10 : i32
      %broadcast_in_dim3A_144 = vector.broadcast %broadcast_in_dim3A_143 : i32 to vector<16xi32>
      %select_n3A_145 = arith.select %gt3A_141, %broadcast_in_dim3A_144, %select_n3A_135 : vector<16xi1>, vector<16xi32>
      %get3A_146 = arith.constant 11 : i32
      %get3A_147 = arith.index_cast %get3A_146 : i32 to index
      %get3A_148 = arith.index_cast %mul3A_42 : i32 to index
      %get3A_149 = tpu.vector_load %arg5[%get3A_147, %get3A_148] {strides = array<i32>} : memref<16x576xf32, #tpu.memory_space<vmem>>, vector<1x16xf32>,
      %get3A_150 = vector.shape_cast %get3A_149 : vector<1x16xf32> to vector<16xf32>
      %gt3A_151 = arith.cmpf ogt, %get3A_150, %select_n3A_142 : vector<16xf32>
      %select_n3A_152 = arith.select %gt3A_151, %get3A_150, %select_n3A_142 : vector<16xi1>, vector<16xf32>
      %broadcast_in_dim3A_153 = arith.constant 11 : i32
      %broadcast_in_dim3A_154 = vector.broadcast %broadcast_in_dim3A_153 : i32 to vector<16xi32>
      %select_n3A_155 = arith.select %gt3A_151, %broadcast_in_dim3A_154, %select_n3A_145 : vector<16xi1>, vector<16xi32>
      %get3A_156 = arith.constant 12 : i32
      %get3A_157 = arith.index_cast %get3A_156 : i32 to index
      %get3A_158 = arith.index_cast %mul3A_42 : i32 to index
      %get3A_159 = tpu.vector_load %arg5[%get3A_157, %get3A_158] {strides = array<i32>} : memref<16x576xf32, #tpu.memory_space<vmem>>, vector<1x16xf32>,
      %get3A_160 = vector.shape_cast %get3A_159 : vector<1x16xf32> to vector<16xf32>
      %gt3A_161 = arith.cmpf ogt, %get3A_160, %select_n3A_152 : vector<16xf32>
      %select_n3A_162 = arith.select %gt3A_161, %get3A_160, %select_n3A_152 : vector<16xi1>, vector<16xf32>
      %broadcast_in_dim3A_163 = arith.constant 12 : i32
      %broadcast_in_dim3A_164 = vector.broadcast %broadcast_in_dim3A_163 : i32 to vector<16xi32>
      %select_n3A_165 = arith.select %gt3A_161, %broadcast_in_dim3A_164, %select_n3A_155 : vector<16xi1>, vector<16xi32>
      %get3A_166 = arith.constant 13 : i32
      %get3A_167 = arith.index_cast %get3A_166 : i32 to index
      %get3A_168 = arith.index_cast %mul3A_42 : i32 to index
      %get3A_169 = tpu.vector_load %arg5[%get3A_167, %get3A_168] {strides = array<i32>} : memref<16x576xf32, #tpu.memory_space<vmem>>, vector<1x16xf32>,
      %get3A_170 = vector.shape_cast %get3A_169 : vector<1x16xf32> to vector<16xf32>
      %gt3A_171 = arith.cmpf ogt, %get3A_170, %select_n3A_162 : vector<16xf32>
      %select_n3A_172 = arith.select %gt3A_171, %get3A_170, %select_n3A_162 : vector<16xi1>, vector<16xf32>
      %broadcast_in_dim3A_173 = arith.constant 13 : i32
      %broadcast_in_dim3A_174 = vector.broadcast %broadcast_in_dim3A_173 : i32 to vector<16xi32>
      %select_n3A_175 = arith.select %gt3A_171, %broadcast_in_dim3A_174, %select_n3A_165 : vector<16xi1>, vector<16xi32>
      %get3A_176 = arith.constant 14 : i32
      %get3A_177 = arith.index_cast %get3A_176 : i32 to index
      %get3A_178 = arith.index_cast %mul3A_42 : i32 to index
      %get3A_179 = tpu.vector_load %arg5[%get3A_177, %get3A_178] {strides = array<i32>} : memref<16x576xf32, #tpu.memory_space<vmem>>, vector<1x16xf32>,
      %get3A_180 = vector.shape_cast %get3A_179 : vector<1x16xf32> to vector<16xf32>
      %gt3A_181 = arith.cmpf ogt, %get3A_180, %select_n3A_172 : vector<16xf32>
      %select_n3A_182 = arith.select %gt3A_181, %get3A_180, %select_n3A_172 : vector<16xi1>, vector<16xf32>
      %broadcast_in_dim3A_183 = arith.constant 14 : i32
      %broadcast_in_dim3A_184 = vector.broadcast %broadcast_in_dim3A_183 : i32 to vector<16xi32>
      %select_n3A_185 = arith.select %gt3A_181, %broadcast_in_dim3A_184, %select_n3A_175 : vector<16xi1>, vector<16xi32>
      %get3A_186 = arith.constant 15 : i32
      %get3A_187 = arith.index_cast %get3A_186 : i32 to index
      %get3A_188 = arith.index_cast %mul3A_42 : i32 to index
      %get3A_189 = tpu.vector_load %arg5[%get3A_187, %get3A_188] {strides = array<i32>} : memref<16x576xf32, #tpu.memory_space<vmem>>, vector<1x16xf32>,
      %get3A_190 = vector.shape_cast %get3A_189 : vector<1x16xf32> to vector<16xf32>
      %gt3A_191 = arith.cmpf ogt, %get3A_190, %select_n3A_182 : vector<16xf32>
      %select_n3A_192 = arith.select %gt3A_191, %get3A_190, %select_n3A_182 : vector<16xi1>, vector<16xf32>
      %broadcast_in_dim3A_193 = arith.constant 15 : i32
      %broadcast_in_dim3A_194 = vector.broadcast %broadcast_in_dim3A_193 : i32 to vector<16xi32>
      %select_n3A_195 = arith.select %gt3A_191, %broadcast_in_dim3A_194, %select_n3A_185 : vector<16xi1>, vector<16xi32>
      %swap3A = arith.index_cast %mul3A_42 : i32 to index
      %swap3A_196 = tpu.vector_load %arg6[%swap3A] {strides = array<i32>} : memref<576xi32, #tpu.memory_space<vmem>>, vector<16xi32>,
      %swap3A_197 = vector.shape_cast %swap3A_196 : vector<16xi32> to vector<16xi32>
      %swap3A_198 = vector.shape_cast %select_n3A_195 : vector<16xi32> to vector<16xi32>
      tpu.vector_store %arg6[%swap3A], %swap3A_198 {strides = array<i32>} : memref<576xi32, #tpu.memory_space<vmem>>, vector<16xi32>,
      %swap3A_199 = arith.index_cast %mul3A_42 : i32 to index
      %swap3A_200 = tpu.vector_load %arg7[%swap3A_199] {strides = array<i32>} : memref<576xf32, #tpu.memory_space<vmem>>, vector<16xf32>,
      %swap3A_201 = vector.shape_cast %swap3A_200 : vector<16xf32> to vector<16xf32>
      %swap3A_202 = vector.shape_cast %select_n3A_192 : vector<16xf32> to vector<16xf32>
      tpu.vector_store %arg7[%swap3A_199], %swap3A_202 {strides = array<i32>} : memref<576xf32, #tpu.memory_space<vmem>>, vector<16xf32>,
    }
    %scan3A_39 = arith.constant 36 : i32
    "tpu.region"() ({
      %run_scoped3A = tpu.sem_alloc : memref<!tpu.dma_semaphore, #tpu.memory_space<semaphore_mem>>
      %dma_start3A = arith.constant 0 : i32
      %dma_start3A_40 = tpu.memref_slice %arg3[%add3A_33, %dma_start3A] : memref<128x576xi32, #tpu.memory_space<hbm>> -> memref<1x576xi32, #tpu.memory_space<hbm>>
      %dma_start3A_41 = tpu.memref_squeeze %dma_start3A_40 : memref<1x576xi32, #tpu.memory_space<hbm>> -> memref<576xi32, #tpu.memory_space<hbm>>
      %dma_start3A_42 = arith.constant 0 : i32
      %dma_start3A_43 = tpu.memref_slice %arg3[%add3A_33, %dma_start3A_42] : memref<128x576xi32, #tpu.memory_space<hbm>> -> memref<1x576xi32, #tpu.memory_space<hbm>>
      %dma_start3A_44 = tpu.memref_squeeze %dma_start3A_43 : memref<1x576xi32, #tpu.memory_space<hbm>> -> memref<576xi32, #tpu.memory_space<hbm>>
      tpu.enqueue_dma source(%arg6 : memref<576xi32, #tpu.memory_space<vmem>>) target(%dma_start3A_44 : memref<576xi32, #tpu.memory_space<hbm>>) target_semaphore(%run_scoped3A : memref<!tpu.dma_semaphore, #tpu.memory_space<semaphore_mem>>)
      %dma_wait3A = arith.constant 0 : i32
      %dma_wait3A_45 = tpu.memref_slice %arg3[%add3A_33, %dma_wait3A] : memref<128x576xi32, #tpu.memory_space<hbm>> -> memref<1x576xi32, #tpu.memory_space<hbm>>
      %dma_wait3A_46 = tpu.memref_squeeze %dma_wait3A_45 : memref<1x576xi32, #tpu.memory_space<hbm>> -> memref<576xi32, #tpu.memory_space<hbm>>
      %dma_wait3A_47 = arith.constant 0 : i32
      %dma_wait3A_48 = tpu.memref_slice %arg3[%add3A_33, %dma_wait3A_47] : memref<128x576xi32, #tpu.memory_space<hbm>> -> memref<1x576xi32, #tpu.memory_space<hbm>>
      %dma_wait3A_49 = tpu.memref_squeeze %dma_wait3A_48 : memref<1x576xi32, #tpu.memory_space<hbm>> -> memref<576xi32, #tpu.memory_space<hbm>>
      tpu.wait_dma2 semaphore(%run_scoped3A : memref<!tpu.dma_semaphore, #tpu.memory_space<semaphore_mem>>) src(%arg6 : memref<576xi32, #tpu.memory_space<vmem>>) dst(%dma_wait3A_49 : memref<576xi32, #tpu.memory_space<hbm>>)
      tpu.yield
    }) : () -> ()
    "tpu.region"() ({
      %run_scoped3A = tpu.sem_alloc : memref<!tpu.dma_semaphore, #tpu.memory_space<semaphore_mem>>
      %dma_start3A = arith.constant 0 : i32
      %dma_start3A_40 = tpu.memref_slice %arg4[%add3A_33, %dma_start3A] : memref<128x576xf32, #tpu.memory_space<hbm>> -> memref<1x576xf32, #tpu.memory_space<hbm>>
      %dma_start3A_41 = tpu.memref_squeeze %dma_start3A_40 : memref<1x576xf32, #tpu.memory_space<hbm>> -> memref<576xf32, #tpu.memory_space<hbm>>
      %dma_start3A_42 = arith.constant 0 : i32
      %dma_start3A_43 = tpu.memref_slice %arg4[%add3A_33, %dma_start3A_42] : memref<128x576xf32, #tpu.memory_space<hbm>> -> memref<1x576xf32, #tpu.memory_space<hbm>>
      %dma_start3A_44 = tpu.memref_squeeze %dma_start3A_43 : memref<1x576xf32, #tpu.memory_space<hbm>> -> memref<576xf32, #tpu.memory_space<hbm>>
      tpu.enqueue_dma source(%arg7 : memref<576xf32, #tpu.memory_space<vmem>>) target(%dma_start3A_44 : memref<576xf32, #tpu.memory_space<hbm>>) target_semaphore(%run_scoped3A : memref<!tpu.dma_semaphore, #tpu.memory_space<semaphore_mem>>)
      %dma_wait3A = arith.constant 0 : i32
      %dma_wait3A_45 = tpu.memref_slice %arg4[%add3A_33, %dma_wait3A] : memref<128x576xf32, #tpu.memory_space<hbm>> -> memref<1x576xf32, #tpu.memory_space<hbm>>
      %dma_wait3A_46 = tpu.memref_squeeze %dma_wait3A_45 : memref<1x576xf32, #tpu.memory_space<hbm>> -> memref<576xf32, #tpu.memory_space<hbm>>
      %dma_wait3A_47 = arith.constant 0 : i32
      %dma_wait3A_48 = tpu.memref_slice %arg4[%add3A_33, %dma_wait3A_47] : memref<128x576xf32, #tpu.memory_space<hbm>> -> memref<1x576xf32, #tpu.memory_space<hbm>>
      %dma_wait3A_49 = tpu.memref_squeeze %dma_wait3A_48 : memref<1x576xf32, #tpu.memory_space<hbm>> -> memref<576xf32, #tpu.memory_space<hbm>>
      tpu.wait_dma2 semaphore(%run_scoped3A : memref<!tpu.dma_semaphore, #tpu.memory_space<semaphore_mem>>) src(%arg7 : memref<576xf32, #tpu.memory_space<vmem>>) dst(%dma_wait3A_49 : memref<576xf32, #tpu.memory_space<hbm>>)
      tpu.yield
    }) : () -> ()
    return
  }
}

module attributes {stable_mosaic.version = 14 : i64} {
  func.func @_tc1(%arg0: i32, %arg1: memref<1x576x384xf32, #tpu.memory_space<vmem>>, %arg2: memref<1x384xf32, #tpu.memory_space<vmem>>, %arg3: memref<1x384xf32, #tpu.memory_space<vmem>>, %arg4: memref<192x384xf32, #tpu.memory_space<vmem>>, %arg5: memref<1x192xf32, #tpu.memory_space<vmem>>, %arg6: memref<192x384xf32, #tpu.memory_space<vmem>>, %arg7: memref<1x192xf32, #tpu.memory_space<vmem>>, %arg8: memref<1x1xf32, #tpu.memory_space<vmem>>, %arg9: memref<1x1xf32, #tpu.memory_space<vmem>>, %arg10: memref<1x128x576xf32, #tpu.memory_space<vmem>>, %arg11: memref<1x576x192xf32, #tpu.memory_space<vmem>>, %arg12: memref<1x16x192xf32, #tpu.memory_space<vmem>>) attributes {dimension_semantics = [#tpu.dimension_semantics<parallel>], iteration_bounds = array<i64: 16>, scalar_prefetch = 0 : i64, scratch_operands = 0 : i64, tpu.core_type = #tpu.core_type<tc>, window_params = [{transform_indices = @transform_0, window_bounds = array<i64: 1, 576, 384>}, {pipeline_mode = #tpu.pipeline_mode<synchronous>, transform_indices = @transform_1, window_bounds = array<i64: 1, 384>}, {pipeline_mode = #tpu.pipeline_mode<synchronous>, transform_indices = @transform_2, window_bounds = array<i64: 1, 384>}, {pipeline_mode = #tpu.pipeline_mode<synchronous>, transform_indices = @transform_3, window_bounds = array<i64: 192, 384>}, {pipeline_mode = #tpu.pipeline_mode<synchronous>, transform_indices = @transform_4, window_bounds = array<i64: 1, 192>}, {pipeline_mode = #tpu.pipeline_mode<synchronous>, transform_indices = @transform_5, window_bounds = array<i64: 192, 384>}, {pipeline_mode = #tpu.pipeline_mode<synchronous>, transform_indices = @transform_6, window_bounds = array<i64: 1, 192>}, {pipeline_mode = #tpu.pipeline_mode<synchronous>, transform_indices = @transform_7, window_bounds = array<i64: 1, 1>}, {pipeline_mode = #tpu.pipeline_mode<synchronous>, transform_indices = @transform_8, window_bounds = array<i64: 1, 1>}, {transform_indices = @transform_9, window_bounds = array<i64: 1, 128, 576>}, {transform_indices = @transform_10, window_bounds = array<i64: 1, 576, 192>}, {transform_indices = @transform_11, window_bounds = array<i64: 1, 16, 192>}]} {
    %iota3A = tpu.iota {dimensions = array<i32: 1>} : vector<16x576xi32>
    %iota3A_0 = tpu.iota {dimensions = array<i32: 0>} : vector<16x576xi32>
    %jit3A = arith.constant 24 : i32
    %div3A = vector.broadcast %jit3A : i32 to vector<16x576xi32>
    %div3A_1 = arith.divsi %iota3A, %div3A : vector<16x576xi32>
    %sign3A = arith.constant 0 : i32
    %sign3A_2 = vector.broadcast %sign3A : i32 to vector<16x576xi32>
    %sign3A_3 = arith.cmpi sgt, %iota3A, %sign3A_2 : vector<16x576xi32>
    %sign3A_4 = arith.extui %sign3A_3 : vector<16x576xi1> to vector<16x576xi32>
    %sign3A_5 = arith.constant 0 : i32
    %sign3A_6 = vector.broadcast %sign3A_5 : i32 to vector<16x576xi32>
    %sign3A_7 = arith.cmpi slt, %iota3A, %sign3A_6 : vector<16x576xi32>
    %sign3A_8 = arith.extui %sign3A_7 : vector<16x576xi1> to vector<16x576xi32>
    %sign3A_9 = arith.subi %sign3A_4, %sign3A_8 : vector<16x576xi32>
    %sign3A_10 = arith.constant 0 : i32
    %sign3A_11 = arith.cmpi sgt, %jit3A, %sign3A_10 : i32
    %sign3A_12 = arith.extui %sign3A_11 : i1 to i32
    %sign3A_13 = arith.constant 0 : i32
    %sign3A_14 = arith.cmpi slt, %jit3A, %sign3A_13 : i32
    %sign3A_15 = arith.extui %sign3A_14 : i1 to i32
    %sign3A_16 = arith.subi %sign3A_12, %sign3A_15 : i32
    %ne3A = vector.broadcast %sign3A_16 : i32 to vector<16x576xi32>
    %ne3A_17 = arith.cmpi ne, %sign3A_9, %ne3A : vector<16x576xi32>
    %rem3A = vector.broadcast %jit3A : i32 to vector<16x576xi32>
    %rem3A_18 = arith.remsi %iota3A, %rem3A : vector<16x576xi32>
    %ne3A_19 = arith.constant 0 : i32
    %ne3A_20 = vector.broadcast %ne3A_19 : i32 to vector<16x576xi32>
    %ne3A_21 = arith.cmpi ne, %rem3A_18, %ne3A_20 : vector<16x576xi32>
    %and3A = arith.andi %ne3A_17, %ne3A_21 : vector<16x576xi1>
    %sub3A = arith.constant 1 : i32
    %sub3A_22 = vector.broadcast %sub3A : i32 to vector<16x576xi32>
    %sub3A_23 = arith.subi %div3A_1, %sub3A_22 : vector<16x576xi32>
    %select_n3A = arith.select %and3A, %sub3A_23, %div3A_1 : vector<16x576xi1>, vector<16x576xi32>
    %mul3A = arith.constant 24 : i32
    %mul3A_24 = vector.broadcast %mul3A : i32 to vector<16x576xi32>
    %mul3A_25 = arith.muli %select_n3A, %mul3A_24 : vector<16x576xi32>
    %sub3A_26 = arith.subi %iota3A, %mul3A_25 : vector<16x576xi32>
    %jit3A_27 = arith.constant 6 : i32
    %div3A_28 = vector.broadcast %jit3A_27 : i32 to vector<16x576xi32>
    %div3A_29 = arith.divsi %select_n3A, %div3A_28 : vector<16x576xi32>
    %sign3A_30 = arith.constant 0 : i32
    %sign3A_31 = vector.broadcast %sign3A_30 : i32 to vector<16x576xi32>
    %sign3A_32 = arith.cmpi sgt, %select_n3A, %sign3A_31 : vector<16x576xi32>
    %sign3A_33 = arith.extui %sign3A_32 : vector<16x576xi1> to vector<16x576xi32>
    %sign3A_34 = arith.constant 0 : i32
    %sign3A_35 = vector.broadcast %sign3A_34 : i32 to vector<16x576xi32>
    %sign3A_36 = arith.cmpi slt, %select_n3A, %sign3A_35 : vector<16x576xi32>
    %sign3A_37 = arith.extui %sign3A_36 : vector<16x576xi1> to vector<16x576xi32>
    %sign3A_38 = arith.subi %sign3A_33, %sign3A_37 : vector<16x576xi32>
    %sign3A_39 = arith.constant 0 : i32
    %sign3A_40 = arith.cmpi sgt, %jit3A_27, %sign3A_39 : i32
    %sign3A_41 = arith.extui %sign3A_40 : i1 to i32
    %sign3A_42 = arith.constant 0 : i32
    %sign3A_43 = arith.cmpi slt, %jit3A_27, %sign3A_42 : i32
    %sign3A_44 = arith.extui %sign3A_43 : i1 to i32
    %sign3A_45 = arith.subi %sign3A_41, %sign3A_44 : i32
    %ne3A_46 = vector.broadcast %sign3A_45 : i32 to vector<16x576xi32>
    %ne3A_47 = arith.cmpi ne, %sign3A_38, %ne3A_46 : vector<16x576xi32>
    %rem3A_48 = vector.broadcast %jit3A_27 : i32 to vector<16x576xi32>
    %rem3A_49 = arith.remsi %select_n3A, %rem3A_48 : vector<16x576xi32>
    %ne3A_50 = arith.constant 0 : i32
    %ne3A_51 = vector.broadcast %ne3A_50 : i32 to vector<16x576xi32>
    %ne3A_52 = arith.cmpi ne, %rem3A_49, %ne3A_51 : vector<16x576xi32>
    %and3A_53 = arith.andi %ne3A_47, %ne3A_52 : vector<16x576xi1>
    %sub3A_54 = arith.constant 1 : i32
    %sub3A_55 = vector.broadcast %sub3A_54 : i32 to vector<16x576xi32>
    %sub3A_56 = arith.subi %div3A_29, %sub3A_55 : vector<16x576xi32>
    %select_n3A_57 = arith.select %and3A_53, %sub3A_56, %div3A_29 : vector<16x576xi1>, vector<16x576xi32>
    %mul3A_58 = arith.constant 4 : i32
    %mul3A_59 = vector.broadcast %mul3A_58 : i32 to vector<16x576xi32>
    %mul3A_60 = arith.muli %select_n3A_57, %mul3A_59 : vector<16x576xi32>
    %jit3A_61 = arith.constant 6 : i32
    %div3A_62 = vector.broadcast %jit3A_61 : i32 to vector<16x576xi32>
    %div3A_63 = arith.divsi %sub3A_26, %div3A_62 : vector<16x576xi32>
    %sign3A_64 = arith.constant 0 : i32
    %sign3A_65 = vector.broadcast %sign3A_64 : i32 to vector<16x576xi32>
    %sign3A_66 = arith.cmpi sgt, %sub3A_26, %sign3A_65 : vector<16x576xi32>
    %sign3A_67 = arith.extui %sign3A_66 : vector<16x576xi1> to vector<16x576xi32>
    %sign3A_68 = arith.constant 0 : i32
    %sign3A_69 = vector.broadcast %sign3A_68 : i32 to vector<16x576xi32>
    %sign3A_70 = arith.cmpi slt, %sub3A_26, %sign3A_69 : vector<16x576xi32>
    %sign3A_71 = arith.extui %sign3A_70 : vector<16x576xi1> to vector<16x576xi32>
    %sign3A_72 = arith.subi %sign3A_67, %sign3A_71 : vector<16x576xi32>
    %sign3A_73 = arith.constant 0 : i32
    %sign3A_74 = arith.cmpi sgt, %jit3A_61, %sign3A_73 : i32
    %sign3A_75 = arith.extui %sign3A_74 : i1 to i32
    %sign3A_76 = arith.constant 0 : i32
    %sign3A_77 = arith.cmpi slt, %jit3A_61, %sign3A_76 : i32
    %sign3A_78 = arith.extui %sign3A_77 : i1 to i32
    %sign3A_79 = arith.subi %sign3A_75, %sign3A_78 : i32
    %ne3A_80 = vector.broadcast %sign3A_79 : i32 to vector<16x576xi32>
    %ne3A_81 = arith.cmpi ne, %sign3A_72, %ne3A_80 : vector<16x576xi32>
    %rem3A_82 = vector.broadcast %jit3A_61 : i32 to vector<16x576xi32>
    %rem3A_83 = arith.remsi %sub3A_26, %rem3A_82 : vector<16x576xi32>
    %ne3A_84 = arith.constant 0 : i32
    %ne3A_85 = vector.broadcast %ne3A_84 : i32 to vector<16x576xi32>
    %ne3A_86 = arith.cmpi ne, %rem3A_83, %ne3A_85 : vector<16x576xi32>
    %and3A_87 = arith.andi %ne3A_81, %ne3A_86 : vector<16x576xi1>
    %sub3A_88 = arith.constant 1 : i32
    %sub3A_89 = vector.broadcast %sub3A_88 : i32 to vector<16x576xi32>
    %sub3A_90 = arith.subi %div3A_63, %sub3A_89 : vector<16x576xi32>
    %select_n3A_91 = arith.select %and3A_87, %sub3A_90, %div3A_63 : vector<16x576xi1>, vector<16x576xi32>
    %add3A = arith.addi %mul3A_60, %select_n3A_91 : vector<16x576xi32>
    %eq3A = arith.cmpi eq, %add3A, %iota3A_0 : vector<16x576xi32>
    %jit3A_92 = arith.constant 0.027777778 : f32
    %jit3A_93 = arith.constant 0.000000e+00 : f32
    %broadcast_in_dim3A = vector.broadcast %jit3A_92 : f32 to vector<16x576xf32>
    %broadcast_in_dim3A_94 = vector.broadcast %jit3A_93 : f32 to vector<16x576xf32>
    %select_n3A_95 = arith.select %eq3A, %broadcast_in_dim3A, %broadcast_in_dim3A_94 : vector<16x576xi1>, vector<16x576xf32>
    %iota3A_96 = tpu.iota {dimensions = array<i32: 0>} : vector<192x192xi32>
    %iota3A_97 = tpu.iota {dimensions = array<i32: 1>} : vector<192x192xi32>
    %jit3A_98 = arith.constant 24 : i32
    %div3A_99 = vector.broadcast %jit3A_98 : i32 to vector<192x192xi32>
    %div3A_100 = arith.divsi %iota3A_96, %div3A_99 : vector<192x192xi32>
    %sign3A_101 = arith.constant 0 : i32
    %sign3A_102 = vector.broadcast %sign3A_101 : i32 to vector<192x192xi32>
    %sign3A_103 = arith.cmpi sgt, %iota3A_96, %sign3A_102 : vector<192x192xi32>
    %sign3A_104 = arith.extui %sign3A_103 : vector<192x192xi1> to vector<192x192xi32>
    %sign3A_105 = arith.constant 0 : i32
    %sign3A_106 = vector.broadcast %sign3A_105 : i32 to vector<192x192xi32>
    %sign3A_107 = arith.cmpi slt, %iota3A_96, %sign3A_106 : vector<192x192xi32>
    %sign3A_108 = arith.extui %sign3A_107 : vector<192x192xi1> to vector<192x192xi32>
    %sign3A_109 = arith.subi %sign3A_104, %sign3A_108 : vector<192x192xi32>
    %sign3A_110 = arith.constant 0 : i32
    %sign3A_111 = arith.cmpi sgt, %jit3A_98, %sign3A_110 : i32
    %sign3A_112 = arith.extui %sign3A_111 : i1 to i32
    %sign3A_113 = arith.constant 0 : i32
    %sign3A_114 = arith.cmpi slt, %jit3A_98, %sign3A_113 : i32
    %sign3A_115 = arith.extui %sign3A_114 : i1 to i32
    %sign3A_116 = arith.subi %sign3A_112, %sign3A_115 : i32
    %ne3A_117 = vector.broadcast %sign3A_116 : i32 to vector<192x192xi32>
    %ne3A_118 = arith.cmpi ne, %sign3A_109, %ne3A_117 : vector<192x192xi32>
    %rem3A_119 = vector.broadcast %jit3A_98 : i32 to vector<192x192xi32>
    %rem3A_120 = arith.remsi %iota3A_96, %rem3A_119 : vector<192x192xi32>
    %ne3A_121 = arith.constant 0 : i32
    %ne3A_122 = vector.broadcast %ne3A_121 : i32 to vector<192x192xi32>
    %ne3A_123 = arith.cmpi ne, %rem3A_120, %ne3A_122 : vector<192x192xi32>
    %and3A_124 = arith.andi %ne3A_118, %ne3A_123 : vector<192x192xi1>
    %sub3A_125 = arith.constant 1 : i32
    %sub3A_126 = vector.broadcast %sub3A_125 : i32 to vector<192x192xi32>
    %sub3A_127 = arith.subi %div3A_100, %sub3A_126 : vector<192x192xi32>
    %select_n3A_128 = arith.select %and3A_124, %sub3A_127, %div3A_100 : vector<192x192xi1>, vector<192x192xi32>
    %jit3A_129 = arith.constant 24 : i32
    %div3A_130 = vector.broadcast %jit3A_129 : i32 to vector<192x192xi32>
    %div3A_131 = arith.divsi %iota3A_97, %div3A_130 : vector<192x192xi32>
    %sign3A_132 = arith.constant 0 : i32
    %sign3A_133 = vector.broadcast %sign3A_132 : i32 to vector<192x192xi32>
    %sign3A_134 = arith.cmpi sgt, %iota3A_97, %sign3A_133 : vector<192x192xi32>
    %sign3A_135 = arith.extui %sign3A_134 : vector<192x192xi1> to vector<192x192xi32>
    %sign3A_136 = arith.constant 0 : i32
    %sign3A_137 = vector.broadcast %sign3A_136 : i32 to vector<192x192xi32>
    %sign3A_138 = arith.cmpi slt, %iota3A_97, %sign3A_137 : vector<192x192xi32>
    %sign3A_139 = arith.extui %sign3A_138 : vector<192x192xi1> to vector<192x192xi32>
    %sign3A_140 = arith.subi %sign3A_135, %sign3A_139 : vector<192x192xi32>
    %sign3A_141 = arith.constant 0 : i32
    %sign3A_142 = arith.cmpi sgt, %jit3A_129, %sign3A_141 : i32
    %sign3A_143 = arith.extui %sign3A_142 : i1 to i32
    %sign3A_144 = arith.constant 0 : i32
    %sign3A_145 = arith.cmpi slt, %jit3A_129, %sign3A_144 : i32
    %sign3A_146 = arith.extui %sign3A_145 : i1 to i32
    %sign3A_147 = arith.subi %sign3A_143, %sign3A_146 : i32
    %ne3A_148 = vector.broadcast %sign3A_147 : i32 to vector<192x192xi32>
    %ne3A_149 = arith.cmpi ne, %sign3A_140, %ne3A_148 : vector<192x192xi32>
    %rem3A_150 = vector.broadcast %jit3A_129 : i32 to vector<192x192xi32>
    %rem3A_151 = arith.remsi %iota3A_97, %rem3A_150 : vector<192x192xi32>
    %ne3A_152 = arith.constant 0 : i32
    %ne3A_153 = vector.broadcast %ne3A_152 : i32 to vector<192x192xi32>
    %ne3A_154 = arith.cmpi ne, %rem3A_151, %ne3A_153 : vector<192x192xi32>
    %and3A_155 = arith.andi %ne3A_149, %ne3A_154 : vector<192x192xi1>
    %sub3A_156 = arith.constant 1 : i32
    %sub3A_157 = vector.broadcast %sub3A_156 : i32 to vector<192x192xi32>
    %sub3A_158 = arith.subi %div3A_131, %sub3A_157 : vector<192x192xi32>
    %select_n3A_159 = arith.select %and3A_155, %sub3A_158, %div3A_131 : vector<192x192xi1>, vector<192x192xi32>
    %eq3A_160 = arith.cmpi eq, %select_n3A_128, %select_n3A_159 : vector<192x192xi32>
    %jit3A_161 = arith.constant 1.000000e+00 : f32
    %jit3A_162 = arith.constant 0.000000e+00 : f32
    %broadcast_in_dim3A_163 = vector.broadcast %jit3A_161 : f32 to vector<192x192xf32>
    %broadcast_in_dim3A_164 = vector.broadcast %jit3A_162 : f32 to vector<192x192xf32>
    %select_n3A_165 = arith.select %eq3A_160, %broadcast_in_dim3A_163, %broadcast_in_dim3A_164 : vector<192x192xi1>, vector<192x192xf32>
    %iota3A_166 = tpu.iota {dimensions = array<i32: 0>} : vector<128x192xi32>
    %jit3A_167 = arith.constant 16 : i32
    %div3A_168 = vector.broadcast %jit3A_167 : i32 to vector<128x192xi32>
    %div3A_169 = arith.divsi %iota3A_166, %div3A_168 : vector<128x192xi32>
    %sign3A_170 = arith.constant 0 : i32
    %sign3A_171 = vector.broadcast %sign3A_170 : i32 to vector<128x192xi32>
    %sign3A_172 = arith.cmpi sgt, %iota3A_166, %sign3A_171 : vector<128x192xi32>
    %sign3A_173 = arith.extui %sign3A_172 : vector<128x192xi1> to vector<128x192xi32>
    %sign3A_174 = arith.constant 0 : i32
    %sign3A_175 = vector.broadcast %sign3A_174 : i32 to vector<128x192xi32>
    %sign3A_176 = arith.cmpi slt, %iota3A_166, %sign3A_175 : vector<128x192xi32>
    %sign3A_177 = arith.extui %sign3A_176 : vector<128x192xi1> to vector<128x192xi32>
    %sign3A_178 = arith.subi %sign3A_173, %sign3A_177 : vector<128x192xi32>
    %sign3A_179 = arith.constant 0 : i32
    %sign3A_180 = arith.cmpi sgt, %jit3A_167, %sign3A_179 : i32
    %sign3A_181 = arith.extui %sign3A_180 : i1 to i32
    %sign3A_182 = arith.constant 0 : i32
    %sign3A_183 = arith.cmpi slt, %jit3A_167, %sign3A_182 : i32
    %sign3A_184 = arith.extui %sign3A_183 : i1 to i32
    %sign3A_185 = arith.subi %sign3A_181, %sign3A_184 : i32
    %ne3A_186 = vector.broadcast %sign3A_185 : i32 to vector<128x192xi32>
    %ne3A_187 = arith.cmpi ne, %sign3A_178, %ne3A_186 : vector<128x192xi32>
    %rem3A_188 = vector.broadcast %jit3A_167 : i32 to vector<128x192xi32>
    %rem3A_189 = arith.remsi %iota3A_166, %rem3A_188 : vector<128x192xi32>
    %ne3A_190 = arith.constant 0 : i32
    %ne3A_191 = vector.broadcast %ne3A_190 : i32 to vector<128x192xi32>
    %ne3A_192 = arith.cmpi ne, %rem3A_189, %ne3A_191 : vector<128x192xi32>
    %and3A_193 = arith.andi %ne3A_187, %ne3A_192 : vector<128x192xi1>
    %sub3A_194 = arith.constant 1 : i32
    %sub3A_195 = vector.broadcast %sub3A_194 : i32 to vector<128x192xi32>
    %sub3A_196 = arith.subi %div3A_169, %sub3A_195 : vector<128x192xi32>
    %select_n3A_197 = arith.select %and3A_193, %sub3A_196, %div3A_169 : vector<128x192xi1>, vector<128x192xi32>
    %iota3A_198 = tpu.iota {dimensions = array<i32: 1>} : vector<128x192xi32>
    %jit3A_199 = arith.constant 24 : i32
    %div3A_200 = vector.broadcast %jit3A_199 : i32 to vector<128x192xi32>
    %div3A_201 = arith.divsi %iota3A_198, %div3A_200 : vector<128x192xi32>
    %sign3A_202 = arith.constant 0 : i32
    %sign3A_203 = vector.broadcast %sign3A_202 : i32 to vector<128x192xi32>
    %sign3A_204 = arith.cmpi sgt, %iota3A_198, %sign3A_203 : vector<128x192xi32>
    %sign3A_205 = arith.extui %sign3A_204 : vector<128x192xi1> to vector<128x192xi32>
    %sign3A_206 = arith.constant 0 : i32
    %sign3A_207 = vector.broadcast %sign3A_206 : i32 to vector<128x192xi32>
    %sign3A_208 = arith.cmpi slt, %iota3A_198, %sign3A_207 : vector<128x192xi32>
    %sign3A_209 = arith.extui %sign3A_208 : vector<128x192xi1> to vector<128x192xi32>
    %sign3A_210 = arith.subi %sign3A_205, %sign3A_209 : vector<128x192xi32>
    %sign3A_211 = arith.constant 0 : i32
    %sign3A_212 = arith.cmpi sgt, %jit3A_199, %sign3A_211 : i32
    %sign3A_213 = arith.extui %sign3A_212 : i1 to i32
    %sign3A_214 = arith.constant 0 : i32
    %sign3A_215 = arith.cmpi slt, %jit3A_199, %sign3A_214 : i32
    %sign3A_216 = arith.extui %sign3A_215 : i1 to i32
    %sign3A_217 = arith.subi %sign3A_213, %sign3A_216 : i32
    %ne3A_218 = vector.broadcast %sign3A_217 : i32 to vector<128x192xi32>
    %ne3A_219 = arith.cmpi ne, %sign3A_210, %ne3A_218 : vector<128x192xi32>
    %rem3A_220 = vector.broadcast %jit3A_199 : i32 to vector<128x192xi32>
    %rem3A_221 = arith.remsi %iota3A_198, %rem3A_220 : vector<128x192xi32>
    %ne3A_222 = arith.constant 0 : i32
    %ne3A_223 = vector.broadcast %ne3A_222 : i32 to vector<128x192xi32>
    %ne3A_224 = arith.cmpi ne, %rem3A_221, %ne3A_223 : vector<128x192xi32>
    %and3A_225 = arith.andi %ne3A_219, %ne3A_224 : vector<128x192xi1>
    %sub3A_226 = arith.constant 1 : i32
    %sub3A_227 = vector.broadcast %sub3A_226 : i32 to vector<128x192xi32>
    %sub3A_228 = arith.subi %div3A_201, %sub3A_227 : vector<128x192xi32>
    %select_n3A_229 = arith.select %and3A_225, %sub3A_228, %div3A_201 : vector<128x192xi1>, vector<128x192xi32>
    %eq3A_230 = arith.cmpi eq, %select_n3A_197, %select_n3A_229 : vector<128x192xi32>
    %jit3A_231 = arith.constant 1.000000e+00 : f32
    %jit3A_232 = arith.constant 0.000000e+00 : f32
    %broadcast_in_dim3A_233 = vector.broadcast %jit3A_231 : f32 to vector<128x192xf32>
    %broadcast_in_dim3A_234 = vector.broadcast %jit3A_232 : f32 to vector<128x192xf32>
    %select_n3A_235 = arith.select %eq3A_230, %broadcast_in_dim3A_233, %broadcast_in_dim3A_234 : vector<128x192xi1>, vector<128x192xf32>
    %get3A = arith.constant 0 : index
    %get3A_236 = arith.constant 0 : index
    %get3A_237 = arith.constant 0 : index
    %get3A_238 = vector.load %arg1[%get3A, %get3A_236, %get3A_237] : memref<1x576x384xf32, #tpu.memory_space<vmem>>, vector<1x576x384xf32>
    %get3A_239 = vector.shape_cast %get3A_238 : vector<1x576x384xf32> to vector<576x384xf32>
    %get3A_240 = arith.constant 0 : index
    %get3A_241 = arith.constant 0 : index
    %get3A_242 = vector.load %arg2[%get3A_240, %get3A_241] : memref<1x384xf32, #tpu.memory_space<vmem>>, vector<1x384xf32>
    %get3A_243 = arith.constant 0 : index
    %get3A_244 = arith.constant 0 : index
    %get3A_245 = vector.load %arg3[%get3A_243, %get3A_244] : memref<1x384xf32, #tpu.memory_space<vmem>>, vector<1x384xf32>
    %reduce_sum3A = arith.constant dense<0.000000e+00> : vector<576xf32>
    %reduce_sum3A_246 = vector.multi_reduction <add>, %get3A_239, %reduce_sum3A [1] : vector<576x384xf32> to vector<576xf32>
    %broadcast_in_dim3A_247 = vector.shape_cast %reduce_sum3A_246 : vector<576xf32> to vector<576x1xf32>
    %div3A_248 = arith.constant 3.840000e+02 : f32
    %div3A_249 = vector.broadcast %div3A_248 : f32 to vector<576x1xf32>
    %div3A_250 = arith.divf %broadcast_in_dim3A_247, %div3A_249 : vector<576x1xf32>
    %sub3A_251 = vector.broadcast %div3A_250 : vector<576x1xf32> to vector<576x384xf32>
    %sub3A_252 = arith.subf %get3A_239, %sub3A_251 : vector<576x384xf32>
    %integer_pow3A = arith.mulf %sub3A_252, %sub3A_252 : vector<576x384xf32>
    %reduce_sum3A_253 = arith.constant dense<0.000000e+00> : vector<576xf32>
    %reduce_sum3A_254 = vector.multi_reduction <add>, %integer_pow3A, %reduce_sum3A_253 [1] : vector<576x384xf32> to vector<576xf32>
    %broadcast_in_dim3A_255 = vector.shape_cast %reduce_sum3A_254 : vector<576xf32> to vector<576x1xf32>
    %div3A_256 = arith.constant 3.840000e+02 : f32
    %div3A_257 = vector.broadcast %div3A_256 : f32 to vector<576x1xf32>
    %div3A_258 = arith.divf %broadcast_in_dim3A_255, %div3A_257 : vector<576x1xf32>
    %sub3A_259 = vector.broadcast %div3A_250 : vector<576x1xf32> to vector<576x384xf32>
    %sub3A_260 = arith.subf %get3A_239, %sub3A_259 : vector<576x384xf32>
    %add3A_261 = arith.constant 9.99999974E-6 : f32
    %add3A_262 = vector.broadcast %add3A_261 : f32 to vector<576x1xf32>
    %add3A_263 = arith.addf %div3A_258, %add3A_262 : vector<576x1xf32>
    %sqrt3A = math.sqrt %add3A_263 : vector<576x1xf32>
    %div3A_264 = vector.broadcast %sqrt3A : vector<576x1xf32> to vector<576x384xf32>
    %div3A_265 = arith.divf %sub3A_260, %div3A_264 : vector<576x384xf32>
    %mul3A_266 = vector.broadcast %get3A_242 : vector<1x384xf32> to vector<576x384xf32>
    %mul3A_267 = arith.mulf %div3A_265, %mul3A_266 : vector<576x384xf32>
    %add3A_268 = vector.broadcast %get3A_245 : vector<1x384xf32> to vector<576x384xf32>
    %add3A_269 = arith.addf %mul3A_267, %add3A_268 : vector<576x384xf32>
    %get3A_270 = arith.constant 0 : index
    %get3A_271 = arith.constant 0 : index
    %get3A_272 = vector.load %arg4[%get3A_270, %get3A_271] : memref<192x384xf32, #tpu.memory_space<vmem>>, vector<192x384xf32>
    %dot_general3A = arith.constant dense<0.000000e+00> : vector<576x192xf32>
    %dot_general3A_273 = tpu.matmul %add3A_269, %get3A_272, %dot_general3A {dimension_numbers = #tpu.dot_dimension_numbers<[1], [1], [0], [0], [0, 0, 1, 0], [], []>, transpose_lhs_hint = false} : vector<576x384xf32>, vector<192x384xf32>, vector<576x192xf32> -> vector<576x192xf32>
    %get3A_274 = arith.constant 0 : index
    %get3A_275 = arith.constant 0 : index
    %get3A_276 = vector.load %arg5[%get3A_274, %get3A_275] : memref<1x192xf32, #tpu.memory_space<vmem>>, vector<1x192xf32>
    %add3A_277 = vector.broadcast %get3A_276 : vector<1x192xf32> to vector<576x192xf32>
    %add3A_278 = arith.addf %dot_general3A_273, %add3A_277 : vector<576x192xf32>
    %get3A_279 = arith.constant 0 : index
    %get3A_280 = arith.constant 0 : index
    %get3A_281 = vector.load %arg6[%get3A_279, %get3A_280] : memref<192x384xf32, #tpu.memory_space<vmem>>, vector<192x384xf32>
    %dot_general3A_282 = arith.constant dense<0.000000e+00> : vector<576x192xf32>
    %dot_general3A_283 = tpu.matmul %add3A_269, %get3A_281, %dot_general3A_282 {dimension_numbers = #tpu.dot_dimension_numbers<[1], [1], [0], [0], [0, 0, 1, 0], [], []>, transpose_lhs_hint = false} : vector<576x384xf32>, vector<192x384xf32>, vector<576x192xf32> -> vector<576x192xf32>
    %get3A_284 = arith.constant 0 : index
    %get3A_285 = arith.constant 0 : index
    %get3A_286 = vector.load %arg7[%get3A_284, %get3A_285] : memref<1x192xf32, #tpu.memory_space<vmem>>, vector<1x192xf32>
    %add3A_287 = vector.broadcast %get3A_286 : vector<1x192xf32> to vector<576x192xf32>
    %add3A_288 = arith.addf %dot_general3A_283, %add3A_287 : vector<576x192xf32>
    %dot_general3A_289 = arith.constant dense<0.000000e+00> : vector<16x192xf32>
    %dot_general3A_290 = tpu.matmul %select_n3A_95, %add3A_278, %dot_general3A_289 {dimension_numbers = #tpu.dot_dimension_numbers<[1], [0], [0], [1], [0, 0, 1, 1], [], []>, transpose_lhs_hint = false} : vector<16x576xf32>, vector<576x192xf32>, vector<16x192xf32> -> vector<16x192xf32>
    %dot_general3A_291 = arith.constant dense<0.000000e+00> : vector<16x192xf32>
    %dot_general3A_292 = tpu.matmul %select_n3A_95, %add3A_288, %dot_general3A_291 {dimension_numbers = #tpu.dot_dimension_numbers<[1], [0], [0], [1], [0, 0, 1, 1], [], []>, transpose_lhs_hint = false} : vector<16x576xf32>, vector<576x192xf32>, vector<16x192xf32> -> vector<16x192xf32>
    %mul3A_293 = arith.mulf %add3A_278, %add3A_278 : vector<576x192xf32>
    %dot_general3A_294 = arith.constant dense<0.000000e+00> : vector<576x192xf32>
    %dot_general3A_295 = tpu.matmul %mul3A_293, %select_n3A_165, %dot_general3A_294 {dimension_numbers = #tpu.dot_dimension_numbers<[1], [0], [0], [1], [0, 0, 1, 1], [], []>, transpose_lhs_hint = false} : vector<576x192xf32>, vector<192x192xf32>, vector<576x192xf32> -> vector<576x192xf32>
    %max3A = arith.constant 1.000000e-24 : f32
    %max3A_296 = vector.broadcast %max3A : f32 to vector<576x192xf32>
    %max3A_297 = arith.maximumf %dot_general3A_295, %max3A_296 : vector<576x192xf32>
    %rsqrt3A = math.rsqrt %max3A_297 : vector<576x192xf32>
    %mul3A_298 = arith.mulf %add3A_278, %rsqrt3A : vector<576x192xf32>
    %mul3A_299 = arith.mulf %dot_general3A_290, %dot_general3A_290 : vector<16x192xf32>
    %dot_general3A_300 = arith.constant dense<0.000000e+00> : vector<16x192xf32>
    %dot_general3A_301 = tpu.matmul %mul3A_299, %select_n3A_165, %dot_general3A_300 {dimension_numbers = #tpu.dot_dimension_numbers<[1], [0], [0], [1], [0, 0, 1, 1], [], []>, transpose_lhs_hint = false} : vector<16x192xf32>, vector<192x192xf32>, vector<16x192xf32> -> vector<16x192xf32>
    %max3A_302 = arith.constant 1.000000e-24 : f32
    %max3A_303 = vector.broadcast %max3A_302 : f32 to vector<16x192xf32>
    %max3A_304 = arith.maximumf %dot_general3A_301, %max3A_303 : vector<16x192xf32>
    %rsqrt3A_305 = math.rsqrt %max3A_304 : vector<16x192xf32>
    %mul3A_306 = arith.mulf %dot_general3A_290, %rsqrt3A_305 : vector<16x192xf32>
    %concatenate3A = tpu.concatenate %mul3A_306, %mul3A_306, %mul3A_306, %mul3A_306, %mul3A_306, %mul3A_306, %mul3A_306, %mul3A_306 in 0 : vector<16x192xf32>, vector<16x192xf32>, vector<16x192xf32>, vector<16x192xf32>, vector<16x192xf32>, vector<16x192xf32>, vector<16x192xf32>, vector<16x192xf32> -> vector<128x192xf32>
    %mul3A_307 = arith.mulf %concatenate3A, %select_n3A_235 : vector<128x192xf32>
    %dot_general3A_308 = arith.constant dense<0.000000e+00> : vector<128x576xf32>
    %dot_general3A_309 = tpu.matmul %mul3A_307, %mul3A_298, %dot_general3A_308 {dimension_numbers = #tpu.dot_dimension_numbers<[1], [1], [0], [0], [0, 0, 1, 0], [], []>, transpose_lhs_hint = false} : vector<128x192xf32>, vector<576x192xf32>, vector<128x576xf32> -> vector<128x576xf32>
    %mul3A_310 = arith.constant 2.000000e+00 : f32
    %mul3A_311 = vector.broadcast %mul3A_310 : f32 to vector<128x576xf32>
    %mul3A_312 = arith.mulf %mul3A_311, %dot_general3A_309 : vector<128x576xf32>
    %sub3A_313 = arith.constant 2.000000e+00 : f32
    %sub3A_314 = vector.broadcast %sub3A_313 : f32 to vector<128x576xf32>
    %sub3A_315 = arith.subf %sub3A_314, %mul3A_312 : vector<128x576xf32>
    %max3A_316 = arith.constant 0.000000e+00 : f32
    %max3A_317 = vector.broadcast %max3A_316 : f32 to vector<128x576xf32>
    %max3A_318 = arith.maximumf %sub3A_315, %max3A_317 : vector<128x576xf32>
    %sqrt3A_319 = math.sqrt %max3A_318 : vector<128x576xf32>
    %neg3A = arith.constant 0.000000e+00 : f32
    %neg3A_320 = vector.broadcast %neg3A : f32 to vector<128x576xf32>
    %neg3A_321 = arith.subf %neg3A_320, %sqrt3A_319 : vector<128x576xf32>
    %exp3A = math.exp %neg3A_321 : vector<128x576xf32>
    %get3A_322 = arith.constant 0 : index
    %get3A_323 = arith.constant 0 : index
    %get3A_324 = vector.load %arg9[%get3A_322, %get3A_323] : memref<1x1xf32, #tpu.memory_space<vmem>>, vector<1x1xf32>
    %get3A_325 = vector.extract %get3A_324[0, 0] : f32 from vector<1x1xf32>
    %get3A_326 = arith.constant 0 : index
    %get3A_327 = arith.constant 0 : index
    %get3A_328 = vector.load %arg8[%get3A_326, %get3A_327] : memref<1x1xf32, #tpu.memory_space<vmem>>, vector<1x1xf32>
    %get3A_329 = vector.extract %get3A_328[0, 0] : f32 from vector<1x1xf32>
    %mul3A_330 = vector.broadcast %get3A_329 : f32 to vector<128x576xf32>
    %mul3A_331 = arith.mulf %mul3A_330, %exp3A : vector<128x576xf32>
    %add3A_332 = vector.broadcast %get3A_325 : f32 to vector<128x576xf32>
    %add3A_333 = arith.addf %add3A_332, %mul3A_331 : vector<128x576xf32>
    %ge3A = arith.constant 0.000000e+00 : f32
    %ge3A_334 = vector.broadcast %ge3A : f32 to vector<128x576xf32>
    %ge3A_335 = arith.cmpf oge, %add3A_333, %ge3A_334 : vector<128x576xf32>
    %mul3A_336 = arith.constant 2.000000e-01 : f32
    %mul3A_337 = vector.broadcast %mul3A_336 : f32 to vector<128x576xf32>
    %mul3A_338 = arith.mulf %mul3A_337, %add3A_333 : vector<128x576xf32>
    %select_n3A_339 = arith.select %ge3A_335, %add3A_333, %mul3A_338 : vector<128x576xi1>, vector<128x576xf32>
    %swap3A = arith.constant 0 : index
    %swap3A_340 = arith.constant 0 : index
    %swap3A_341 = arith.constant 0 : index
    %swap3A_342 = vector.load %arg10[%swap3A, %swap3A_340, %swap3A_341] : memref<1x128x576xf32, #tpu.memory_space<vmem>>, vector<1x128x576xf32>
    %swap3A_343 = vector.shape_cast %swap3A_342 : vector<1x128x576xf32> to vector<128x576xf32>
    %swap3A_344 = vector.shape_cast %select_n3A_339 : vector<128x576xf32> to vector<1x128x576xf32>
    tpu.vector_store %arg10[%swap3A, %swap3A_340, %swap3A_341], %swap3A_344 {strides = array<i32>} : memref<1x128x576xf32, #tpu.memory_space<vmem>>, vector<1x128x576xf32>,
    %swap3A_345 = arith.constant 0 : index
    %swap3A_346 = arith.constant 0 : index
    %swap3A_347 = arith.constant 0 : index
    %swap3A_348 = vector.load %arg11[%swap3A_345, %swap3A_346, %swap3A_347] : memref<1x576x192xf32, #tpu.memory_space<vmem>>, vector<1x576x192xf32>
    %swap3A_349 = vector.shape_cast %swap3A_348 : vector<1x576x192xf32> to vector<576x192xf32>
    %swap3A_350 = vector.shape_cast %add3A_288 : vector<576x192xf32> to vector<1x576x192xf32>
    tpu.vector_store %arg11[%swap3A_345, %swap3A_346, %swap3A_347], %swap3A_350 {strides = array<i32>} : memref<1x576x192xf32, #tpu.memory_space<vmem>>, vector<1x576x192xf32>,
    %swap3A_351 = arith.constant 0 : index
    %swap3A_352 = arith.constant 0 : index
    %swap3A_353 = arith.constant 0 : index
    %swap3A_354 = vector.load %arg12[%swap3A_351, %swap3A_352, %swap3A_353] : memref<1x16x192xf32, #tpu.memory_space<vmem>>, vector<1x16x192xf32>
    %swap3A_355 = vector.shape_cast %swap3A_354 : vector<1x16x192xf32> to vector<16x192xf32>
    %swap3A_356 = vector.shape_cast %dot_general3A_292 : vector<16x192xf32> to vector<1x16x192xf32>
    tpu.vector_store %arg12[%swap3A_351, %swap3A_352, %swap3A_353], %swap3A_356 {strides = array<i32>} : memref<1x16x192xf32, #tpu.memory_space<vmem>>, vector<1x16x192xf32>,
    return
  }
  func.func @transform_0(%arg0: i32) -> (i32, i32, i32) {
    %c0_i32 = arith.constant 0 : i32
    %c0_i32_0 = arith.constant 0 : i32
    %c0_i32_1 = arith.constant 0 : i32
    return %arg0, %c0_i32, %c0_i32_0 : i32, i32, i32
  }
  func.func @transform_1(%arg0: i32) -> (i32, i32) {
    %c0_i32 = arith.constant 0 : i32
    %c0_i32_0 = arith.constant 0 : i32
    %c0_i32_1 = arith.constant 0 : i32
    return %c0_i32, %c0_i32_0 : i32, i32
  }
  func.func @transform_2(%arg0: i32) -> (i32, i32) {
    %c0_i32 = arith.constant 0 : i32
    %c0_i32_0 = arith.constant 0 : i32
    %c0_i32_1 = arith.constant 0 : i32
    return %c0_i32, %c0_i32_0 : i32, i32
  }
  func.func @transform_3(%arg0: i32) -> (i32, i32) {
    %c0_i32 = arith.constant 0 : i32
    %c0_i32_0 = arith.constant 0 : i32
    %c0_i32_1 = arith.constant 0 : i32
    return %c0_i32, %c0_i32_0 : i32, i32
  }
  func.func @transform_4(%arg0: i32) -> (i32, i32) {
    %c0_i32 = arith.constant 0 : i32
    %c0_i32_0 = arith.constant 0 : i32
    %c0_i32_1 = arith.constant 0 : i32
    return %c0_i32, %c0_i32_0 : i32, i32
  }
  func.func @transform_5(%arg0: i32) -> (i32, i32) {
    %c0_i32 = arith.constant 0 : i32
    %c0_i32_0 = arith.constant 0 : i32
    %c0_i32_1 = arith.constant 0 : i32
    return %c0_i32, %c0_i32_0 : i32, i32
  }
  func.func @transform_6(%arg0: i32) -> (i32, i32) {
    %c0_i32 = arith.constant 0 : i32
    %c0_i32_0 = arith.constant 0 : i32
    %c0_i32_1 = arith.constant 0 : i32
    return %c0_i32, %c0_i32_0 : i32, i32
  }
  func.func @transform_7(%arg0: i32) -> (i32, i32) {
    %c0_i32 = arith.constant 0 : i32
    %c0_i32_0 = arith.constant 0 : i32
    %c0_i32_1 = arith.constant 0 : i32
    return %c0_i32, %c0_i32_0 : i32, i32
  }
  func.func @transform_8(%arg0: i32) -> (i32, i32) {
    %c0_i32 = arith.constant 0 : i32
    %c0_i32_0 = arith.constant 0 : i32
    %c0_i32_1 = arith.constant 0 : i32
    return %c0_i32, %c0_i32_0 : i32, i32
  }
  func.func @transform_9(%arg0: i32) -> (i32, i32, i32) {
    %c0_i32 = arith.constant 0 : i32
    %c0_i32_0 = arith.constant 0 : i32
    %c0_i32_1 = arith.constant 0 : i32
    return %arg0, %c0_i32, %c0_i32_0 : i32, i32, i32
  }
  func.func @transform_10(%arg0: i32) -> (i32, i32, i32) {
    %c0_i32 = arith.constant 0 : i32
    %c0_i32_0 = arith.constant 0 : i32
    %c0_i32_1 = arith.constant 0 : i32
    return %arg0, %c0_i32, %c0_i32_0 : i32, i32, i32
  }
  func.func @transform_11(%arg0: i32) -> (i32, i32, i32) {
    %c0_i32 = arith.constant 0 : i32
    %c0_i32_0 = arith.constant 0 : i32
    %c0_i32_1 = arith.constant 0 : i32
    return %arg0, %c0_i32, %c0_i32_0 : i32, i32, i32
  }
}

module attributes {stable_mosaic.version = 14 : i64} {
  func.func @_tc2(%arg0: i32, %arg1: memref<1x576x384xf32, #tpu.memory_space<vmem>>, %arg2: memref<1x8x576xi32, #tpu.memory_space<vmem>>, %arg3: memref<1x8x576xf32, #tpu.memory_space<vmem>>, %arg4: memref<1x576x192xf32, #tpu.memory_space<vmem>>, %arg5: memref<1x16x192xf32, #tpu.memory_space<vmem>>, %arg6: memref<1x384xf32, #tpu.memory_space<vmem>>, %arg7: memref<1x384xf32, #tpu.memory_space<vmem>>, %arg8: memref<384x192xf32, #tpu.memory_space<vmem>>, %arg9: memref<1x384xf32, #tpu.memory_space<vmem>>, %arg10: memref<1536x384xf32, #tpu.memory_space<vmem>>, %arg11: memref<1x1536xf32, #tpu.memory_space<vmem>>, %arg12: memref<384x1536xf32, #tpu.memory_space<vmem>>, %arg13: memref<1x384xf32, #tpu.memory_space<vmem>>, %arg14: memref<1x576x384xf32, #tpu.memory_space<vmem>>) attributes {dimension_semantics = [#tpu.dimension_semantics<parallel>], iteration_bounds = array<i64: 16>, scalar_prefetch = 0 : i64, scratch_operands = 0 : i64, tpu.core_type = #tpu.core_type<tc>, window_params = [{transform_indices = @transform_0, window_bounds = array<i64: 1, 576, 384>}, {transform_indices = @transform_1, window_bounds = array<i64: 1, 8, 576>}, {transform_indices = @transform_2, window_bounds = array<i64: 1, 8, 576>}, {transform_indices = @transform_3, window_bounds = array<i64: 1, 576, 192>}, {transform_indices = @transform_4, window_bounds = array<i64: 1, 16, 192>}, {pipeline_mode = #tpu.pipeline_mode<synchronous>, transform_indices = @transform_5, window_bounds = array<i64: 1, 384>}, {pipeline_mode = #tpu.pipeline_mode<synchronous>, transform_indices = @transform_6, window_bounds = array<i64: 1, 384>}, {pipeline_mode = #tpu.pipeline_mode<synchronous>, transform_indices = @transform_7, window_bounds = array<i64: 384, 192>}, {pipeline_mode = #tpu.pipeline_mode<synchronous>, transform_indices = @transform_8, window_bounds = array<i64: 1, 384>}, {pipeline_mode = #tpu.pipeline_mode<synchronous>, transform_indices = @transform_9, window_bounds = array<i64: 1536, 384>}, {pipeline_mode = #tpu.pipeline_mode<synchronous>, transform_indices = @transform_10, window_bounds = array<i64: 1, 1536>}, {pipeline_mode = #tpu.pipeline_mode<synchronous>, transform_indices = @transform_11, window_bounds = array<i64: 384, 1536>}, {pipeline_mode = #tpu.pipeline_mode<synchronous>, transform_indices = @transform_12, window_bounds = array<i64: 1, 384>}, {transform_indices = @transform_13, window_bounds = array<i64: 1, 576, 384>}]} {
    %iota3A = tpu.iota {dimensions = array<i32: 0>} : vector<128x192xi32>
    %jit3A = arith.constant 16 : i32
    %div3A = vector.broadcast %jit3A : i32 to vector<128x192xi32>
    %div3A_0 = arith.divsi %iota3A, %div3A : vector<128x192xi32>
    %sign3A = arith.constant 0 : i32
    %sign3A_1 = vector.broadcast %sign3A : i32 to vector<128x192xi32>
    %sign3A_2 = arith.cmpi sgt, %iota3A, %sign3A_1 : vector<128x192xi32>
    %sign3A_3 = arith.extui %sign3A_2 : vector<128x192xi1> to vector<128x192xi32>
    %sign3A_4 = arith.constant 0 : i32
    %sign3A_5 = vector.broadcast %sign3A_4 : i32 to vector<128x192xi32>
    %sign3A_6 = arith.cmpi slt, %iota3A, %sign3A_5 : vector<128x192xi32>
    %sign3A_7 = arith.extui %sign3A_6 : vector<128x192xi1> to vector<128x192xi32>
    %sign3A_8 = arith.subi %sign3A_3, %sign3A_7 : vector<128x192xi32>
    %sign3A_9 = arith.constant 0 : i32
    %sign3A_10 = arith.cmpi sgt, %jit3A, %sign3A_9 : i32
    %sign3A_11 = arith.extui %sign3A_10 : i1 to i32
    %sign3A_12 = arith.constant 0 : i32
    %sign3A_13 = arith.cmpi slt, %jit3A, %sign3A_12 : i32
    %sign3A_14 = arith.extui %sign3A_13 : i1 to i32
    %sign3A_15 = arith.subi %sign3A_11, %sign3A_14 : i32
    %ne3A = vector.broadcast %sign3A_15 : i32 to vector<128x192xi32>
    %ne3A_16 = arith.cmpi ne, %sign3A_8, %ne3A : vector<128x192xi32>
    %rem3A = vector.broadcast %jit3A : i32 to vector<128x192xi32>
    %rem3A_17 = arith.remsi %iota3A, %rem3A : vector<128x192xi32>
    %ne3A_18 = arith.constant 0 : i32
    %ne3A_19 = vector.broadcast %ne3A_18 : i32 to vector<128x192xi32>
    %ne3A_20 = arith.cmpi ne, %rem3A_17, %ne3A_19 : vector<128x192xi32>
    %and3A = arith.andi %ne3A_16, %ne3A_20 : vector<128x192xi1>
    %sub3A = arith.constant 1 : i32
    %sub3A_21 = vector.broadcast %sub3A : i32 to vector<128x192xi32>
    %sub3A_22 = arith.subi %div3A_0, %sub3A_21 : vector<128x192xi32>
    %select_n3A = arith.select %and3A, %sub3A_22, %div3A_0 : vector<128x192xi1>, vector<128x192xi32>
    %iota3A_23 = tpu.iota {dimensions = array<i32: 1>} : vector<128x192xi32>
    %jit3A_24 = arith.constant 24 : i32
    %div3A_25 = vector.broadcast %jit3A_24 : i32 to vector<128x192xi32>
    %div3A_26 = arith.divsi %iota3A_23, %div3A_25 : vector<128x192xi32>
    %sign3A_27 = arith.constant 0 : i32
    %sign3A_28 = vector.broadcast %sign3A_27 : i32 to vector<128x192xi32>
    %sign3A_29 = arith.cmpi sgt, %iota3A_23, %sign3A_28 : vector<128x192xi32>
    %sign3A_30 = arith.extui %sign3A_29 : vector<128x192xi1> to vector<128x192xi32>
    %sign3A_31 = arith.constant 0 : i32
    %sign3A_32 = vector.broadcast %sign3A_31 : i32 to vector<128x192xi32>
    %sign3A_33 = arith.cmpi slt, %iota3A_23, %sign3A_32 : vector<128x192xi32>
    %sign3A_34 = arith.extui %sign3A_33 : vector<128x192xi1> to vector<128x192xi32>
    %sign3A_35 = arith.subi %sign3A_30, %sign3A_34 : vector<128x192xi32>
    %sign3A_36 = arith.constant 0 : i32
    %sign3A_37 = arith.cmpi sgt, %jit3A_24, %sign3A_36 : i32
    %sign3A_38 = arith.extui %sign3A_37 : i1 to i32
    %sign3A_39 = arith.constant 0 : i32
    %sign3A_40 = arith.cmpi slt, %jit3A_24, %sign3A_39 : i32
    %sign3A_41 = arith.extui %sign3A_40 : i1 to i32
    %sign3A_42 = arith.subi %sign3A_38, %sign3A_41 : i32
    %ne3A_43 = vector.broadcast %sign3A_42 : i32 to vector<128x192xi32>
    %ne3A_44 = arith.cmpi ne, %sign3A_35, %ne3A_43 : vector<128x192xi32>
    %rem3A_45 = vector.broadcast %jit3A_24 : i32 to vector<128x192xi32>
    %rem3A_46 = arith.remsi %iota3A_23, %rem3A_45 : vector<128x192xi32>
    %ne3A_47 = arith.constant 0 : i32
    %ne3A_48 = vector.broadcast %ne3A_47 : i32 to vector<128x192xi32>
    %ne3A_49 = arith.cmpi ne, %rem3A_46, %ne3A_48 : vector<128x192xi32>
    %and3A_50 = arith.andi %ne3A_44, %ne3A_49 : vector<128x192xi1>
    %sub3A_51 = arith.constant 1 : i32
    %sub3A_52 = vector.broadcast %sub3A_51 : i32 to vector<128x192xi32>
    %sub3A_53 = arith.subi %div3A_26, %sub3A_52 : vector<128x192xi32>
    %select_n3A_54 = arith.select %and3A_50, %sub3A_53, %div3A_26 : vector<128x192xi1>, vector<128x192xi32>
    %eq3A = arith.cmpi eq, %select_n3A, %select_n3A_54 : vector<128x192xi32>
    %jit3A_55 = arith.constant 1.000000e+00 : f32
    %jit3A_56 = arith.constant 0.000000e+00 : f32
    %broadcast_in_dim3A = vector.broadcast %jit3A_55 : f32 to vector<128x192xf32>
    %broadcast_in_dim3A_57 = vector.broadcast %jit3A_56 : f32 to vector<128x192xf32>
    %select_n3A_58 = arith.select %eq3A, %broadcast_in_dim3A, %broadcast_in_dim3A_57 : vector<128x192xi1>, vector<128x192xf32>
    %get3A = arith.constant 0 : index
    %get3A_59 = arith.constant 0 : index
    %get3A_60 = arith.constant 0 : index
    %get3A_61 = vector.load %arg1[%get3A, %get3A_59, %get3A_60] : memref<1x576x384xf32, #tpu.memory_space<vmem>>, vector<1x576x384xf32>
    %get3A_62 = vector.shape_cast %get3A_61 : vector<1x576x384xf32> to vector<576x384xf32>
    %get3A_63 = arith.constant 0 : index
    %get3A_64 = arith.constant 0 : index
    %get3A_65 = arith.constant 0 : index
    %get3A_66 = vector.load %arg4[%get3A_63, %get3A_64, %get3A_65] : memref<1x576x192xf32, #tpu.memory_space<vmem>>, vector<1x576x192xf32>
    %get3A_67 = vector.shape_cast %get3A_66 : vector<1x576x192xf32> to vector<576x192xf32>
    %get3A_68 = arith.constant 0 : index
    %get3A_69 = arith.constant 0 : index
    %get3A_70 = arith.constant 0 : index
    %get3A_71 = vector.load %arg5[%get3A_68, %get3A_69, %get3A_70] : memref<1x16x192xf32, #tpu.memory_space<vmem>>, vector<1x16x192xf32>
    %get3A_72 = vector.shape_cast %get3A_71 : vector<1x16x192xf32> to vector<16x192xf32>
    %get3A_73 = arith.constant 0 : index
    %get3A_74 = arith.constant 0 : index
    %get3A_75 = arith.constant 0 : index
    %get3A_76 = vector.load %arg2[%get3A_73, %get3A_74, %get3A_75] : memref<1x8x576xi32, #tpu.memory_space<vmem>>, vector<1x8x576xi32>
    %get3A_77 = vector.shape_cast %get3A_76 : vector<1x8x576xi32> to vector<8x576xi32>
    %get3A_78 = arith.constant 0 : index
    %get3A_79 = arith.constant 0 : index
    %get3A_80 = arith.constant 0 : index
    %get3A_81 = vector.load %arg3[%get3A_78, %get3A_79, %get3A_80] : memref<1x8x576xf32, #tpu.memory_space<vmem>>, vector<1x8x576xf32>
    %get3A_82 = vector.shape_cast %get3A_81 : vector<1x8x576xf32> to vector<8x576xf32>
    %iota3A_83 = tpu.iota {dimensions = array<i32: 1>} : vector<8x16x576xi32>
    %broadcast_in_dim3A_84 = vector.shape_cast %get3A_77 : vector<8x576xi32> to vector<8x1x576xi32>
    %eq3A_85 = vector.broadcast %broadcast_in_dim3A_84 : vector<8x1x576xi32> to vector<8x16x576xi32>
    %eq3A_86 = arith.cmpi eq, %iota3A_83, %eq3A_85 : vector<8x16x576xi32>
    %jit3A_87 = arith.constant 1.000000e+00 : f32
    %jit3A_88 = arith.constant 0.000000e+00 : f32
    %broadcast_in_dim3A_89 = vector.broadcast %jit3A_87 : f32 to vector<8x16x576xf32>
    %broadcast_in_dim3A_90 = vector.broadcast %jit3A_88 : f32 to vector<8x16x576xf32>
    %select_n3A_91 = arith.select %eq3A_86, %broadcast_in_dim3A_89, %broadcast_in_dim3A_90 : vector<8x16x576xi1>, vector<8x16x576xf32>
    %broadcast_in_dim3A_92 = vector.shape_cast %get3A_82 : vector<8x576xf32> to vector<8x1x576xf32>
    %mul3A = vector.broadcast %broadcast_in_dim3A_92 : vector<8x1x576xf32> to vector<8x16x576xf32>
    %mul3A_93 = arith.mulf %select_n3A_91, %mul3A : vector<8x16x576xf32>
    %reshape3A = vector.shape_cast %mul3A_93 : vector<8x16x576xf32> to vector<128x576xf32>
    %reduce_sum3A = arith.constant dense<0.000000e+00> : vector<8x16xf32>
    %reduce_sum3A_94 = vector.multi_reduction <add>, %select_n3A_91, %reduce_sum3A [2] : vector<8x16x576xf32> to vector<8x16xf32>
    %reshape3A_95 = vector.shape_cast %reduce_sum3A_94 : vector<8x16xf32> to vector<128x1xf32>
    %dot_general3A = arith.constant dense<0.000000e+00> : vector<128x192xf32>
    %dot_general3A_96 = tpu.matmul %reshape3A, %get3A_67, %dot_general3A {dimension_numbers = #tpu.dot_dimension_numbers<[1], [0], [0], [1], [0, 0, 1, 1], [], []>, transpose_lhs_hint = false} : vector<128x576xf32>, vector<576x192xf32>, vector<128x192xf32> -> vector<128x192xf32>
    %concatenate3A = tpu.concatenate %get3A_72, %get3A_72, %get3A_72, %get3A_72, %get3A_72, %get3A_72, %get3A_72, %get3A_72 in 0 : vector<16x192xf32>, vector<16x192xf32>, vector<16x192xf32>, vector<16x192xf32>, vector<16x192xf32>, vector<16x192xf32>, vector<16x192xf32>, vector<16x192xf32> -> vector<128x192xf32>
    %add3A = arith.addf %dot_general3A_96, %concatenate3A : vector<128x192xf32>
    %add3A_97 = arith.constant 1.000000e+00 : f32
    %add3A_98 = vector.broadcast %add3A_97 : f32 to vector<128x1xf32>
    %add3A_99 = arith.addf %reshape3A_95, %add3A_98 : vector<128x1xf32>
    %div3A_100 = vector.broadcast %add3A_99 : vector<128x1xf32> to vector<128x192xf32>
    %div3A_101 = arith.divf %add3A, %div3A_100 : vector<128x192xf32>
    %mul3A_102 = arith.mulf %div3A_101, %select_n3A_58 : vector<128x192xf32>
    %dot_general3A_103 = arith.constant dense<0.000000e+00> : vector<576x192xf32>
    %dot_general3A_104 = tpu.matmul %reshape3A, %mul3A_102, %dot_general3A_103 {dimension_numbers = #tpu.dot_dimension_numbers<[0], [0], [1], [1], [0, 1, 1, 1], [], []>, transpose_lhs_hint = false} : vector<128x576xf32>, vector<128x192xf32>, vector<576x192xf32> -> vector<576x192xf32>
    %get3A_105 = arith.constant 0 : index
    %get3A_106 = arith.constant 0 : index
    %get3A_107 = vector.load %arg8[%get3A_105, %get3A_106] : memref<384x192xf32, #tpu.memory_space<vmem>>, vector<384x192xf32>
    %dot_general3A_108 = arith.constant dense<0.000000e+00> : vector<576x384xf32>
    %dot_general3A_109 = tpu.matmul %dot_general3A_104, %get3A_107, %dot_general3A_108 {dimension_numbers = #tpu.dot_dimension_numbers<[1], [1], [0], [0], [0, 0, 1, 0], [], []>, transpose_lhs_hint = false} : vector<576x192xf32>, vector<384x192xf32>, vector<576x384xf32> -> vector<576x384xf32>
    %add3A_110 = arith.addf %get3A_62, %dot_general3A_109 : vector<576x384xf32>
    %get3A_111 = arith.constant 0 : index
    %get3A_112 = arith.constant 0 : index
    %get3A_113 = vector.load %arg9[%get3A_111, %get3A_112] : memref<1x384xf32, #tpu.memory_space<vmem>>, vector<1x384xf32>
    %add3A_114 = vector.broadcast %get3A_113 : vector<1x384xf32> to vector<576x384xf32>
    %add3A_115 = arith.addf %add3A_110, %add3A_114 : vector<576x384xf32>
    %get3A_116 = arith.constant 0 : index
    %get3A_117 = arith.constant 0 : index
    %get3A_118 = vector.load %arg6[%get3A_116, %get3A_117] : memref<1x384xf32, #tpu.memory_space<vmem>>, vector<1x384xf32>
    %get3A_119 = arith.constant 0 : index
    %get3A_120 = arith.constant 0 : index
    %get3A_121 = vector.load %arg7[%get3A_119, %get3A_120] : memref<1x384xf32, #tpu.memory_space<vmem>>, vector<1x384xf32>
    %reduce_sum3A_122 = arith.constant dense<0.000000e+00> : vector<576xf32>
    %reduce_sum3A_123 = vector.multi_reduction <add>, %add3A_115, %reduce_sum3A_122 [1] : vector<576x384xf32> to vector<576xf32>
    %broadcast_in_dim3A_124 = vector.shape_cast %reduce_sum3A_123 : vector<576xf32> to vector<576x1xf32>
    %div3A_125 = arith.constant 3.840000e+02 : f32
    %div3A_126 = vector.broadcast %div3A_125 : f32 to vector<576x1xf32>
    %div3A_127 = arith.divf %broadcast_in_dim3A_124, %div3A_126 : vector<576x1xf32>
    %sub3A_128 = vector.broadcast %div3A_127 : vector<576x1xf32> to vector<576x384xf32>
    %sub3A_129 = arith.subf %add3A_115, %sub3A_128 : vector<576x384xf32>
    %integer_pow3A = arith.mulf %sub3A_129, %sub3A_129 : vector<576x384xf32>
    %reduce_sum3A_130 = arith.constant dense<0.000000e+00> : vector<576xf32>
    %reduce_sum3A_131 = vector.multi_reduction <add>, %integer_pow3A, %reduce_sum3A_130 [1] : vector<576x384xf32> to vector<576xf32>
    %broadcast_in_dim3A_132 = vector.shape_cast %reduce_sum3A_131 : vector<576xf32> to vector<576x1xf32>
    %div3A_133 = arith.constant 3.840000e+02 : f32
    %div3A_134 = vector.broadcast %div3A_133 : f32 to vector<576x1xf32>
    %div3A_135 = arith.divf %broadcast_in_dim3A_132, %div3A_134 : vector<576x1xf32>
    %sub3A_136 = vector.broadcast %div3A_127 : vector<576x1xf32> to vector<576x384xf32>
    %sub3A_137 = arith.subf %add3A_115, %sub3A_136 : vector<576x384xf32>
    %add3A_138 = arith.constant 9.99999974E-6 : f32
    %add3A_139 = vector.broadcast %add3A_138 : f32 to vector<576x1xf32>
    %add3A_140 = arith.addf %div3A_135, %add3A_139 : vector<576x1xf32>
    %sqrt3A = math.sqrt %add3A_140 : vector<576x1xf32>
    %div3A_141 = vector.broadcast %sqrt3A : vector<576x1xf32> to vector<576x384xf32>
    %div3A_142 = arith.divf %sub3A_137, %div3A_141 : vector<576x384xf32>
    %mul3A_143 = vector.broadcast %get3A_118 : vector<1x384xf32> to vector<576x384xf32>
    %mul3A_144 = arith.mulf %div3A_142, %mul3A_143 : vector<576x384xf32>
    %add3A_145 = vector.broadcast %get3A_121 : vector<1x384xf32> to vector<576x384xf32>
    %add3A_146 = arith.addf %mul3A_144, %add3A_145 : vector<576x384xf32>
    %get3A_147 = arith.constant 0 : index
    %get3A_148 = arith.constant 0 : index
    %get3A_149 = vector.load %arg10[%get3A_147, %get3A_148] : memref<1536x384xf32, #tpu.memory_space<vmem>>, vector<1536x384xf32>
    %dot_general3A_150 = arith.constant dense<0.000000e+00> : vector<576x1536xf32>
    %dot_general3A_151 = tpu.matmul %add3A_146, %get3A_149, %dot_general3A_150 {dimension_numbers = #tpu.dot_dimension_numbers<[1], [1], [0], [0], [0, 0, 1, 0], [], []>, transpose_lhs_hint = false} : vector<576x384xf32>, vector<1536x384xf32>, vector<576x1536xf32> -> vector<576x1536xf32>
    %get3A_152 = arith.constant 0 : index
    %get3A_153 = arith.constant 0 : index
    %get3A_154 = vector.load %arg11[%get3A_152, %get3A_153] : memref<1x1536xf32, #tpu.memory_space<vmem>>, vector<1x1536xf32>
    %add3A_155 = vector.broadcast %get3A_154 : vector<1x1536xf32> to vector<576x1536xf32>
    %add3A_156 = arith.addf %dot_general3A_151, %add3A_155 : vector<576x1536xf32>
    %mul3A_157 = arith.constant 5.000000e-01 : f32
    %mul3A_158 = vector.broadcast %mul3A_157 : f32 to vector<576x1536xf32>
    %mul3A_159 = arith.mulf %add3A_156, %mul3A_158 : vector<576x1536xf32>
    %mul3A_160 = arith.constant 0.707106769 : f32
    %mul3A_161 = vector.broadcast %mul3A_160 : f32 to vector<576x1536xf32>
    %mul3A_162 = arith.mulf %add3A_156, %mul3A_161 : vector<576x1536xf32>
    %erf3A = math.erf %mul3A_162 : vector<576x1536xf32>
    %add3A_163 = arith.constant 1.000000e+00 : f32
    %add3A_164 = vector.broadcast %add3A_163 : f32 to vector<576x1536xf32>
    %add3A_165 = arith.addf %add3A_164, %erf3A : vector<576x1536xf32>
    %mul3A_166 = arith.mulf %mul3A_159, %add3A_165 : vector<576x1536xf32>
    %get3A_167 = arith.constant 0 : index
    %get3A_168 = arith.constant 0 : index
    %get3A_169 = vector.load %arg12[%get3A_167, %get3A_168] : memref<384x1536xf32, #tpu.memory_space<vmem>>, vector<384x1536xf32>
    %dot_general3A_170 = arith.constant dense<0.000000e+00> : vector<576x384xf32>
    %dot_general3A_171 = tpu.matmul %mul3A_166, %get3A_169, %dot_general3A_170 {dimension_numbers = #tpu.dot_dimension_numbers<[1], [1], [0], [0], [0, 0, 1, 0], [], []>, transpose_lhs_hint = false} : vector<576x1536xf32>, vector<384x1536xf32>, vector<576x384xf32> -> vector<576x384xf32>
    %get3A_172 = arith.constant 0 : index
    %get3A_173 = arith.constant 0 : index
    %get3A_174 = vector.load %arg13[%get3A_172, %get3A_173] : memref<1x384xf32, #tpu.memory_space<vmem>>, vector<1x384xf32>
    %add3A_175 = vector.broadcast %get3A_174 : vector<1x384xf32> to vector<576x384xf32>
    %add3A_176 = arith.addf %dot_general3A_171, %add3A_175 : vector<576x384xf32>
    %add3A_177 = arith.addf %add3A_115, %add3A_176 : vector<576x384xf32>
    %swap3A = arith.constant 0 : index
    %swap3A_178 = arith.constant 0 : index
    %swap3A_179 = arith.constant 0 : index
    %swap3A_180 = vector.load %arg14[%swap3A, %swap3A_178, %swap3A_179] : memref<1x576x384xf32, #tpu.memory_space<vmem>>, vector<1x576x384xf32>
    %swap3A_181 = vector.shape_cast %swap3A_180 : vector<1x576x384xf32> to vector<576x384xf32>
    %swap3A_182 = vector.shape_cast %add3A_177 : vector<576x384xf32> to vector<1x576x384xf32>
    tpu.vector_store %arg14[%swap3A, %swap3A_178, %swap3A_179], %swap3A_182 {strides = array<i32>} : memref<1x576x384xf32, #tpu.memory_space<vmem>>, vector<1x576x384xf32>,
    return
  }
  func.func @transform_0(%arg0: i32) -> (i32, i32, i32) {
    %c0_i32 = arith.constant 0 : i32
    %c0_i32_0 = arith.constant 0 : i32
    %c0_i32_1 = arith.constant 0 : i32
    return %arg0, %c0_i32, %c0_i32_0 : i32, i32, i32
  }
  func.func @transform_1(%arg0: i32) -> (i32, i32, i32) {
    %c0_i32 = arith.constant 0 : i32
    %c0_i32_0 = arith.constant 0 : i32
    %c0_i32_1 = arith.constant 0 : i32
    return %arg0, %c0_i32, %c0_i32_0 : i32, i32, i32
  }
  func.func @transform_2(%arg0: i32) -> (i32, i32, i32) {
    %c0_i32 = arith.constant 0 : i32
    %c0_i32_0 = arith.constant 0 : i32
    %c0_i32_1 = arith.constant 0 : i32
    return %arg0, %c0_i32, %c0_i32_0 : i32, i32, i32
  }
  func.func @transform_3(%arg0: i32) -> (i32, i32, i32) {
    %c0_i32 = arith.constant 0 : i32
    %c0_i32_0 = arith.constant 0 : i32
    %c0_i32_1 = arith.constant 0 : i32
    return %arg0, %c0_i32, %c0_i32_0 : i32, i32, i32
  }
  func.func @transform_4(%arg0: i32) -> (i32, i32, i32) {
    %c0_i32 = arith.constant 0 : i32
    %c0_i32_0 = arith.constant 0 : i32
    %c0_i32_1 = arith.constant 0 : i32
    return %arg0, %c0_i32, %c0_i32_0 : i32, i32, i32
  }
  func.func @transform_5(%arg0: i32) -> (i32, i32) {
    %c0_i32 = arith.constant 0 : i32
    %c0_i32_0 = arith.constant 0 : i32
    %c0_i32_1 = arith.constant 0 : i32
    return %c0_i32, %c0_i32_0 : i32, i32
  }
  func.func @transform_6(%arg0: i32) -> (i32, i32) {
    %c0_i32 = arith.constant 0 : i32
    %c0_i32_0 = arith.constant 0 : i32
    %c0_i32_1 = arith.constant 0 : i32
    return %c0_i32, %c0_i32_0 : i32, i32
  }
  func.func @transform_7(%arg0: i32) -> (i32, i32) {
    %c0_i32 = arith.constant 0 : i32
    %c0_i32_0 = arith.constant 0 : i32
    %c0_i32_1 = arith.constant 0 : i32
    return %c0_i32, %c0_i32_0 : i32, i32
  }
  func.func @transform_8(%arg0: i32) -> (i32, i32) {
    %c0_i32 = arith.constant 0 : i32
    %c0_i32_0 = arith.constant 0 : i32
    %c0_i32_1 = arith.constant 0 : i32
    return %c0_i32, %c0_i32_0 : i32, i32
  }
  func.func @transform_9(%arg0: i32) -> (i32, i32) {
    %c0_i32 = arith.constant 0 : i32
    %c0_i32_0 = arith.constant 0 : i32
    %c0_i32_1 = arith.constant 0 : i32
    return %c0_i32, %c0_i32_0 : i32, i32
  }
  func.func @transform_10(%arg0: i32) -> (i32, i32) {
    %c0_i32 = arith.constant 0 : i32
    %c0_i32_0 = arith.constant 0 : i32
    %c0_i32_1 = arith.constant 0 : i32
    return %c0_i32, %c0_i32_0 : i32, i32
  }
  func.func @transform_11(%arg0: i32) -> (i32, i32) {
    %c0_i32 = arith.constant 0 : i32
    %c0_i32_0 = arith.constant 0 : i32
    %c0_i32_1 = arith.constant 0 : i32
    return %c0_i32, %c0_i32_0 : i32, i32
  }
  func.func @transform_12(%arg0: i32) -> (i32, i32) {
    %c0_i32 = arith.constant 0 : i32
    %c0_i32_0 = arith.constant 0 : i32
    %c0_i32_1 = arith.constant 0 : i32
    return %c0_i32, %c0_i32_0 : i32, i32
  }
  func.func @transform_13(%arg0: i32) -> (i32, i32, i32) {
    %c0_i32 = arith.constant 0 : i32
    %c0_i32_0 = arith.constant 0 : i32
    %c0_i32_1 = arith.constant 0 : i32
    return %arg0, %c0_i32, %c0_i32_0 : i32, i32, i32
  }
}

</mosaic_0001>

<sc_bundles>
// kernel: kernel.5.cloned.1.call-start
scs
__scs_entry_jumppad:
0x0: {  	(pc) =	sbr.rel $0x88, $3  }
0x1: {  	(tag) =	ssettag $0x0;
	lr =	simm.s32 $0x1  }
0x2: {  	[smem:$0x3F90] =	sst lr;
	_ =	strace $0xD0000000  }
0x3: {  	_ = 	snop  }
0x4: {  	_ = 	snop  }
0x5: {  	_ = 	snop  }
0x6: {  	_ = 	snop  }
0x7: {  	_ = 	snop  }
__scs_overlays_trampoline_lowered:
0x8: {  	[smem:$0x3F9F] =	sst s0  }
0x9: {  	[smem:$0x3FA0] =	sst s1  }
0xa: {  	[smem:$0x3FA1] =	sst s2  }
0xb: {  	[smem:$0x3FA2] =	sst s3  }
0xc: {  	[smem:$0x3FA3] =	sst s4  }
0xd: {  	[smem:$0x3FA4] =	sst s5  }
0xe: {  	[smem:$0x3FA5] =	sst s6  }
0xf: {  	[smem:$0x3FA6] =	sst s7  }
0x10: {  	[smem:$0x3FA7] =	sst s8  }
0x11: {  	[smem:$0x3FA8] =	sst s9;
	s0 =	simm.s32 @!p0 $0x0  }
0x12: {  	s1 =	sld [smem:$0x3F8E];
	s0 =	simm.s32 @p0 $0x1  }
0x13: {  	[smem:$0x3FA9] =	sst s0;
	s0 =	simm.s32 @!p1 $0x0  }
0x14: {  	s2 =	sld [smem:$0x3F8D];
	s0 =	simm.s32 @p1 $0x1  }
0x15: {  	[smem:$0x3FAA] =	sst s0;
	s0 =	simm.s32 @!p2 $0x0  }
0x16: {  	s3 =	sld [smem:$0x3FDB];
	s0 =	simm.s32 @p2 $0x1  }
0x17: {  	s4 =	simm.s32 $0x1BF5;
	[smem:$0x3FAC] =	sst s0  }
0x18: {  	s0 =	sld [smem:$0x3F8F];
	_ =	swait.ge [sflag:s4], $0x0  }
0x19: {  	s7 =	sld [smem:$0x3F90]  }
0x1a: {  	s8 =	sadd.s32 $0xFFFFE003, lr  }
0x1b: {  	s9 =	sadd.s32 $0xFFFFFEF7, lr;
	s5 =	simm.s32 $0xFFFFFFFF;
	p2 =	slt.u32 s8, $0xFFFFF086  }
0x1c: {  	p1 =	slt.u32 s9, $0xF7A;
	s5 =	simm.s32 @!p2 $0x0  }
0x1d: {  	s5 =	simm.s32 @p1 $0x1;
	p0 =	seq.s32 s7, s2  }
0x1e: {  	s7 =	smul.u32 @!p0 $0xF7A, s2;
	p2 =	seq.s32 @!p0 s5, $0x0  }
0x1f: {  	s9 =	smul.u32 $0xF7A, s1;
	s8 =	simm.s32 @!p0 $0x1BF5;
	p2 =	por !p2, p0  }
0x20: {  	[sflag:s8] =	ssyncset.s32 @!p0 $0xFFFFF086;
	s6 =	sadd.s32 @!p0 s3, s7;
	s7 =	simm.s32 @!p0 $0x108  }
0x21: {  	s3 =	sadd.s32 s3, s9;
	s6 =	sadd.s32 @!p0 $0x88, s6;
	s7 =	simm.s32 @p2 $0x1082  }
0x22: {  	[simem:s7], [sflag:s8] =	dma.local @!p0 [hbm:s6], $0xF7A  }
0x23: {  	s9 =	sor.u32 $0xD0000000, s2;
	s6 =	simm.s32 $0x108;
	_ =	swait.ge @!p0 [sflag:s8], $0x0  }
0x24: {  	s3 =	sadd.s32 $0x88, s3;
	s6 =	simm.s32 @!p1 $0x1082;
	[sflag:s4] =	ssyncset.s32 $0xFFFFF086  }
0x25: {  	[simem:s6], [sflag:s4] =	dma.local [hbm:s3], $0xF7A  }
0x26: {  	[smem:$0x3F90] =	sst s1;
	(tag) =	ssettag s2;
	_ =	strace s9  }
0x27: {  	s1 =	sld [smem:$0x3FA0]  }
0x28: {  	s2 =	sld [smem:$0x3FA1]  }
0x29: {  	s4 =	sld [smem:$0x3FA3]  }
0x2a: {  	p0 =	seq.s32 s5, $0x0;
	s5 =	sld [smem:$0x3FA4]  }
0x2b: {  	s6 =	sld [smem:$0x3FA5]  }
0x2c: {  	s7 =	sld [smem:$0x3FA6]  }
0x2d: {  	s3 =	simm.s32 $0x108;
	s8 =	sld [smem:$0x3FA7]  }
0x2e: {  	s3 =	simm.s32 @!p0 $0x1082;
	s9 =	sld [smem:$0x3FA8]  }
0x2f: {  	lr =	sadd.s32 s0, s3;
	s0 =	sld [smem:$0x3F9F]  }
0x30: {  	s3 =	sld [smem:$0x3FA2]  }
0x31: {  	[smem:$0x3FAB] =	sst s10  }
0x32: {  	s10 =	sld [smem:$0x3FA9];
	_ =	sdelay $0x3  }
0x33: {  	p0 =	seq.s32 s10, $0x1;
	s10 =	sld [smem:$0x3FAB];
	_ =	sdelay $0x3  }
0x34: {  	[smem:$0x3FAB] =	sst s10  }
0x35: {  	s10 =	sld [smem:$0x3FAA];
	_ =	sdelay $0x3  }
0x36: {  	p1 =	seq.s32 s10, $0x1;
	s10 =	sld [smem:$0x3FAB];
	_ =	sdelay $0x3  }
0x37: {  	[smem:$0x3FAB] =	sst s10  }
0x38: {  	s10 =	sld [smem:$0x3FAC]  }
0x39: {  	_ = 	snop;
	(pc) =	sbr.ind lr, $3  }
0x3a: {  	_ = 	snop  }
0x3b: {  	_ = 	snop  }
0x3c: {  	p2 =	seq.s32 s10, $0x1;
	s10 =	sld [smem:$0x3FAB]  }
0x3d: {  	_ =	shalt  }
0x3e: {  	_ =	shalt  }
0x3f: {  	_ =	shalt  }
0x40: {  	_ =	shalt  }
0x41: {  	_ =	shalt  }
0x42: {  	_ =	shalt  }
0x43: {  	_ =	shalt  }
0x44: {  	_ =	shalt  }
0x45: {  	_ =	shalt  }
0x46: {  	_ =	shalt  }
0x47: {  	_ =	shalt  }
0x48: {  	_ =	shalt  }
0x49: {  	_ =	shalt  }
0x4a: {  	_ =	shalt  }
0x4b: {  	_ =	shalt  }
0x4c: {  	_ =	shalt  }
0x4d: {  	_ =	shalt  }
0x4e: {  	_ =	shalt  }
0x4f: {  	_ =	shalt  }
0x50: {  	_ =	shalt  }
0x51: {  	_ =	shalt  }
0x52: {  	_ =	shalt  }
0x53: {  	_ =	shalt  }
0x54: {  	_ =	shalt  }
0x55: {  	_ =	shalt  }
0x56: {  	_ =	shalt  }
0x57: {  	_ =	shalt  }
0x58: {  	_ =	shalt  }
0x59: {  	_ =	shalt  }
0x5a: {  	_ =	shalt  }
0x5b: {  	_ =	shalt  }
0x5c: {  	_ =	shalt  }
0x5d: {  	_ =	shalt  }
0x5e: {  	_ =	shalt  }
0x5f: {  	_ =	shalt  }
0x60: {  	_ =	shalt  }
0x61: {  	_ =	shalt  }
0x62: {  	_ =	shalt  }
0x63: {  	_ =	shalt  }
0x64: {  	_ =	shalt  }
0x65: {  	_ =	shalt  }
0x66: {  	_ =	shalt  }
0x67: {  	_ =	shalt  }
0x68: {  	_ =	shalt  }
0x69: {  	_ =	shalt  }
0x6a: {  	_ =	shalt  }
0x6b: {  	_ =	shalt  }
0x6c: {  	_ =	shalt  }
0x6d: {  	_ =	shalt  }
0x6e: {  	_ =	shalt  }
0x6f: {  	_ =	shalt  }
0x70: {  	_ =	shalt  }
0x71: {  	_ =	shalt  }
0x72: {  	_ =	shalt  }
0x73: {  	_ =	shalt  }
0x74: {  	_ =	shalt  }
0x75: {  	_ =	shalt  }
0x76: {  	_ =	shalt  }
0x77: {  	_ =	shalt  }
0x78: {  	_ =	shalt  }
0x79: {  	_ =	shalt  }
0x7a: {  	_ =	shalt  }
0x7b: {  	_ =	shalt  }
0x7c: {  	_ =	shalt  }
0x7d: {  	_ =	shalt  }
0x7e: {  	_ =	shalt  }
0x7f: {  	_ =	shalt  }
0x80: {  	_ =	shalt  }
0x81: {  	_ =	shalt  }
0x82: {  	_ =	shalt  }
0x83: {  	_ =	shalt  }
0x84: {  	_ =	shalt  }
0x85: {  	_ =	shalt  }
0x86: {  	_ =	shalt  }
0x87: {  	_ =	shalt  }
.Lfunc_end0:
.L_simem_size_0:
called_computation_lowered:
.L_overlay_start_0:
0x88: {  	s2 =	sld [smem:$0x3FD9]  }
0x89: {  	s3 =	sld [smem:$0x3FFE];
	_ =	sdelay $0x1  }
0x8a: {  	s1 =	srdreg.scid  }
0x8b: {  	s0 =	sand.u32 $0x1, s1  }
0x8c: {  	s17 =	sshll.u32 s0, $0xA;
	s2 =	sadd.s32 s3, s2  }
0x8d: {  	s2 =	sadd.s32 s2, s17  }
0x8e: {  	[smem:$0x3FB7] =	sst s2  }
0x8f: {  	_ = 	snop  }
0x90: {  	s2 =	sld [smem:$0x3FD0];
	(tm) =	ssettm $0x1  }
0x91: {  	s18 =	sld [smem:$0x3FFB];
	_ =	sdelay $0x3  }
0x92: {  	_ =	strace s18  }
0x93: {  	s3 =	sld [smem:$0x3FFC];
	_ =	sdelay $0x3  }
0x94: {  	_ =	strace s3  }
0x95: {  	s3 =	sld [smem:$0x3FFD];
	_ =	sdelay $0x3  }
0x96: {  	_ =	strace s3  }
0x97: {  	_ =	strace $0x8FFFFFFF  }
0x98: {  	s19 =	sld [smem:$0x3FDB];
	_ =	sdelay $0x1  }
0x99: {  	s4 =	simm.s32 $_scs_section_size  }
0x9a: {  	s5 =	simm.s32 $_size__tile_overlayer_lowered;
	s6 =	simm.s32 $_tile_overlayer_lowered  }
0x9b: {  	s22 =	simm.s32 $0x1BFF;
	s21 =	sshll.u32 s6, $0x1;
	s3 =	sadd.s32 s4, s19  }
0x9c: {  	s7 =	simm.s32 $0x0;
	s20 =	sshll.u32 s5, $0x1;
	s5 =	sadd.s32 s21, s3  }
0x9d: {  	[timem:s7], [sflag:s22] =	dma.local [hbm:s5], s20  }
0x9e: {  	_ =	swait.ge [sflag:s22], s20  }
0x9f: {  	s4 =	ssub.s32 $0x0, s20;
	[sflag:s22] =	ssyncset.done $0x0  }
0xa0: {  	[sflag:s22] =	ssyncadd.s32 s4;
	_ =	sdelay $0x1  }
0xa1: {  	s23 =	simm.s32 $0x1B8B  }
0xa2: {  	_ =	swait.ge [sflag:s23], $0x1  }
0xa3: {  	[sflag:s23] =	ssyncset.done $0x0  }
0xa4: {  	s25 =	simm.s32 $0x1B8E;
	s24 =	sld [smem:$0x3FFE];
	[sflag:s23] =	ssyncadd.s32 $0xFFFFFFFF  }
0xa5: {  	s26 =	simm.s32 $execute0_lowered;
	[smem:$0x3FD2] =	sst s25  }
0xa6: {  	s5 =	sshll.u32 s26, $0x1;
	_ =	strace $0x80000046;
	[dreg:$0x1] =	wrdreg $0xFFFFFFFF  }
0xa7: {  	s28 =	simm.s32 $_size_execute0_lowered;
	s3 =	sadd.s32 s3, s5;
	[dreg:$0x0] =	wrdreg $0x0  }
0xa8: {  	s5 =	sshll.u32 s28, $0x1;
	[dreg:$0x2] =	wrdreg s3  }
0xa9: {  	[dreg:$0x3] =	wrdreg s5  }
0xaa: {  	[dreg:$0x4] =	wrdreg $0xC0  }
0xab: {  	_ =	task [dreg:s7], $0x5FFFF  }
0xac: {  	[dreg:$0x1] =	wrdreg $0xFFFFFFFF  }
0xad: {  	[dreg:$0x0] =	wrdreg $0x60  }
0xae: {  	[dreg:$0x2] =	wrdreg s2  }
0xaf: {  	[dreg:$0x3] =	wrdreg s24  }
0xb0: {  	[dreg:$0x4] =	wrdreg $0x9  }
0xb1: {  	_ =	task.clear_ibuf [dreg:s7], $0x5FFFF;
	_ =	strace $0x90000046  }
0xb2: {  	s29 =	simm.s32 $0x9;
	_ =	strace $0x80000048  }
0xb3: {  	_ =	swait.ge [sflag:s29], $0x1  }
0xb4: {  	[sflag:s29] =	ssyncadd.s32 $0xFFFFFFFF  }
0xb5: {  	_ =	strace $0x90000048  }
0xb6: {  	_ =	sfence  }
0xb7: {  	s30 =	sld [smem:$0x0];
	_ =	sdelay $0x2  }
0xb8: {  	s31 =	sshll.u32 s1, $0xD;
	s1 =	sshrl.u32 s1, $0x2  }
0xb9: {  	s3 =	sand.u32 $0x4000, s31;
	s1 =	sadd.s32 s1, s30  }
0xba: {  	s0 =	sor.u32 s3, s0;
	s1 =	sshll.u32 s1, $0x11  }
0xbb: {  	s0 =	sor.u32 s1, s0  }
0xbc: {  	s0 =	sadd.s32 $0x8F2B, s0  }
0xbd: {  	[sflag:s0] =	ssyncadd.remote.s32 $0x1  }
0xbe: {  	_ =	sfence.sel $0xFFFF  }
0xbf: {  	[dreg:$0x0] =	wrdreg $0xFFFFFFFF;
	(pc) =	sbr.abs _section_cstart, $3  }
0xc0: {  	[dreg:$0x1] =	wrdreg $0xFFFFFFFF  }
0xc1: {  	_ =	task.clear_ibuf [dreg:s7], $0x2FFFF;
	_ =	strace $0x9FFFFFFF  }
0xc2: {  	(tm) =	ssettm $0x7FFFFFFF  }
0xc3: {  	_ =	shalt  }
tec
execute0_lowered:
.L_overlay_start_1:
0x0: {  	(tag) =	ssettag $0x1  }
0x1: {  	s12 =	rddreg [dreg:$0x0]  }
0x2: {  	s2 =	rddreg [dreg:$0x1]  }
0x3: {  	s0 =	rddreg [dreg:$0x2];
	s1 =	simm.s32 $0x0;
	s3 =	srdreg.scid  }
0x4: {  	s19 =	simm.s32 $0x2800;
	s20 =	simm.s32 $0x2A80;
	s21 =	simm.s32 $0x0  }
0x5: {  	[smem:$0x7FF] =	sst s1;
	s13 =	sadd.s32 $0x2800, s2;
	s14 =	sadd.s32 $0x5000, s2  }
0x6: {  	s2 =	stileid.u32;
	s3 =	sand.u32 $0x1, s3;
	_ =	strace $0x80000047  }
0x7: {  	s4 =	ssub.s32 $0x2, s3;
	s5 =	sshll.u32 s2, $0x3;
	s6 =	sshll.u32 s3, $0x2  }
0x8: {  	s11 =	smul.u32 $0x1400, s2;
	s3 =	sshll.u32 s3, $0x9;
	s9 =	sor.u32 s6, s5  }
0x9: {  	s7 =	sshrl.u32 s4, $0x1;
	s5 =	smul.u32 $0x500, s9;
	s6 =	sor.u32 $0x1, s9  }
0xa: {  	s15 =	ssub.s32 s4, s7;
	s28 =	sor.u32 s3, s11;
	s10 =	sor.u32 $0x2, s9  }
0xb: {  	s9 =	sor.u32 $0x3, s9;
	s29 =	sshll.u32 s6, $0x7;
	s6 =	smul.u32 $0x500, s6  }
0xc: {  	s30 =	sshrl.u32 s28, $0x3;
	s16 =	sshll.u32 s10, $0x7;
	s10 =	smul.u32 $0x500, s10  }
0xd: {  	s17 =	sshll.u32 s9, $0x7;
	s18 =	smul.u32 $0x500, s9;
	s15 =	smax.u32 s15, $0x1  }
0xe: {  	s3 =	sadd.s32 s12, s5;
	s7 =	sand.u32 $0x280, s29;
	s4 =	sadd.s32 s13, s30  }
0xf: {  	s5 =	sadd.s32 s14, s30;
	s16 =	sand.u32 $0x300, s16;
	s17 =	sand.u32 $0x380, s17  }
0x10: {  	s7 =	sor.u32 s11, s7;
	s6 =	sadd.s32 s12, s6;
	s16 =	sor.u32 s11, s16  }
0x11: {  	s9 =	sadd.s32 s12, s10;
	s17 =	sor.u32 s11, s17;
	s12 =	sadd.s32 s12, s18  }
0x12: {  	s18 =	simm.s32 $0x400;
	s8 =	sshrl.u32 s7, $0x3;
	s16 =	sshrl.u32 s16, $0x3  }
0x13: {  	s31 =	sshrl.u32 s17, $0x3;
	s17 =	simm.s32 $0x80;
	s7 =	sadd.s32 s13, s8  }
0x14: {  	s8 =	sadd.s32 s14, s8;
	s10 =	sadd.s32 s13, s16;
	s11 =	sadd.s32 s14, s16  }
0x15: {  	v0 =	vimm.s32 $0x0;
	s13 =	sadd.s32 s13, s31;
	s14 =	sadd.s32 s14, s31;
	s16 =	simm.s32 $0x1  }
.LBB2_1:
0x16: {  	[tilespmem:s1], [sflag:$0x1] =	stream.linear.gather [hbm4b:s3+s1], $0x2800, $0x38;
	[tilespmem:$0x2D00] =	vst v63  }
0x17: {  	_ =	swait.ge [sflag:s16], $0x2800  }
0x18: {  	s22 =	sand.u32 $0x70, s1;
	s23 =	sand.u32 $0x1C00, s1;
	[sflag:s16] =	ssyncset.done $0x0  }
0x19: {  	s22 =	sor.u32 s22, s23;
	[sflag:s16] =	ssyncadd.s32 $0xFFFFD800  }
0x1a: {  	v1 =	vld [tilespmem:s22+$0x80]  }
0x1b: {  	v2 =	vld [tilespmem:s22+$0x0];
	_ =	sdelay $0x1  }
0x1c: {  	v3 =	vld [tilespmem:s22+$0x100];
	_ =	sdelay $0x1  }
0x1d: {  	v4 =	vld [tilespmem:s22+$0x180]  }
0x1e: {  	vm0 =	vgt.f32 v1, v2  }
0x1f: {  	v1 =	vsel vm0, v1, v2;
	v2 =	vld [tilespmem:s22+$0x200]  }
0x20: {  	vm1 =	vgt.f32 v3, v1  }
0x21: {  	v1 =	vsel vm1, v3, v1;
	v3 =	vld [tilespmem:s22+$0x280]  }
0x22: {  	vm2 =	vgt.f32 v4, v1  }
0x23: {  	v60 =	vld [tilespmem:s22+$0x300];
	v1 =	vsel vm2, v4, v1  }
0x24: {  	vm3 =	vgt.f32 v2, v1  }
0x25: {  	v1 =	vsel vm3, v2, v1;
	v2 =	vld [tilespmem:s22+$0x380]  }
0x26: {  	vm4 =	vgt.f32 v3, v1  }
0x27: {  	v1 =	vsel vm4, v3, v1;
	v3 =	vld [tilespmem:s22+$0x1400]  }
0x28: {  	vm5 =	vgt.f32 v60, v1  }
0x29: {  	v61 =	vld [tilespmem:s22+$0x1480];
	v1 =	vsel vm5, v60, v1  }
0x2a: {  	vm6 =	vgt.f32 v2, v1  }
0x2b: {  	v1 =	vsel vm6, v2, v1;
	v2 =	vld [tilespmem:s22+$0x1500]  }
0x2c: {  	vm7 =	vgt.f32 v3, v1  }
0x2d: {  	v5 =	vsel vm0, $0x1, v0;
	v1 =	vsel vm7, v3, v1;
	v3 =	vld [tilespmem:s22+$0x1580]  }
0x2e: {  	v5 =	vsel vm1, $0x2, v5;
	vm9 =	vgt.f32 v61, v1  }
0x2f: {  	v62 =	vld [tilespmem:s22+$0x1600];
	v5 =	vsel vm2, $0x3, v5;
	v1 =	vsel vm9, v61, v1  }
0x30: {  	v5 =	vsel vm3, $0x4, v5;
	vm10 =	vgt.f32 v2, v1  }
0x31: {  	v5 =	vsel vm4, $0x5, v5;
	v1 =	vsel vm10, v2, v1;
	v2 =	vld [tilespmem:s22+$0x1680]  }
0x32: {  	v5 =	vsel vm5, $0x6, v5;
	vm11 =	vgt.f32 v3, v1  }
0x33: {  	v5 =	vsel vm6, $0x7, v5;
	v1 =	vsel vm11, v3, v1;
	v3 =	vld [tilespmem:s22+$0x1700]  }
0x34: {  	v5 =	vsel vm7, $0x8, v5;
	vm12 =	vgt.f32 v62, v1  }
0x35: {  	v63 =	vld [tilespmem:s22+$0x1780];
	v5 =	vsel vm9, $0x9, v5;
	v1 =	vsel vm12, v62, v1  }
0x36: {  	v5 =	vsel vm10, $0xA, v5;
	vm13 =	vgt.f32 v2, v1  }
0x37: {  	v5 =	vsel vm11, $0xB, v5;
	v1 =	vsel vm13, v2, v1  }
0x38: {  	v2 =	vsel vm12, $0xC, v5;
	vm14 =	vgt.f32 v3, v1  }
0x39: {  	v2 =	vsel vm13, $0xD, v2;
	v1 =	vsel vm14, v3, v1  }
0x3a: {  	v2 =	vsel vm14, $0xE, v2;
	vm15 =	vgt.f32 v63, v1  }
0x3b: {  	s30 =	simm.s32 $0x10;
	s25 =	simm.s32 $0x80;
	v2 =	vsel vm15, $0xF, v2  }
0x3c: {  	s31 =	sand.u32 $0x1C00, s25;
	s22 =	sand.u32 $0x70, s30;
	v1 =	vsel vm15, v63, v1;
	[tilespmem:s19+$0x0] =	vst v2  }
0x3d: {  	s24 =	sor.u32 s22, s31;
	[tilespmem:s20+$0x0] =	vst v1  }
0x3e: {  	s26 =	simm.s32 $0x20;
	s23 =	simm.s32 $0x2800;
	s22 =	simm.s32 $0x2A80;
	v1 =	vld [tilespmem:s24+$0x80]  }
.LBB2_2:
0x3f: {  	p0 =	sne.s32 s26, $0x230;
	v2 =	vld [tilespmem:s24+$0x0];
	_ =	sdelay $0x1  }
0x40: {  	v3 =	vld [tilespmem:s24+$0x100];
	_ =	sdelay $0x1  }
0x41: {  	v4 =	vld [tilespmem:s24+$0x180]  }
0x42: {  	vm0 =	vgt.f32 v1, v2  }
0x43: {  	v1 =	vsel vm0, v1, v2;
	v2 =	vld [tilespmem:s24+$0x200]  }
0x44: {  	vm1 =	vgt.f32 v3, v1  }
0x45: {  	v1 =	vsel vm1, v3, v1;
	v3 =	vld [tilespmem:s24+$0x280]  }
0x46: {  	vm2 =	vgt.f32 v4, v1  }
0x47: {  	v1 =	vsel vm2, v4, v1;
	v4 =	vld [tilespmem:s24+$0x300]  }
0x48: {  	vm3 =	vgt.f32 v2, v1  }
0x49: {  	v1 =	vsel vm3, v2, v1;
	v2 =	vld [tilespmem:s24+$0x380]  }
0x4a: {  	vm4 =	vgt.f32 v3, v1  }
0x4b: {  	v1 =	vsel vm4, v3, v1;
	v3 =	vld [tilespmem:s24+$0x1400]  }
0x4c: {  	vm5 =	vgt.f32 v4, v1  }
0x4d: {  	v1 =	vsel vm5, v4, v1;
	v4 =	vld [tilespmem:s24+$0x1480]  }
0x4e: {  	vm6 =	vgt.f32 v2, v1  }
0x4f: {  	v1 =	vsel vm6, v2, v1;
	v2 =	vld [tilespmem:s24+$0x1500]  }
0x50: {  	vm7 =	vgt.f32 v3, v1  }
0x51: {  	v5 =	vsel vm0, $0x1, v0;
	v1 =	vsel vm7, v3, v1;
	v3 =	vld [tilespmem:s24+$0x1580]  }
0x52: {  	v5 =	vsel vm1, $0x2, v5;
	vm0 =	vgt.f32 v4, v1  }
0x53: {  	v5 =	vsel vm2, $0x3, v5;
	v1 =	vsel vm0, v4, v1;
	v4 =	vld [tilespmem:s24+$0x1600]  }
0x54: {  	v5 =	vsel vm3, $0x4, v5;
	vm1 =	vgt.f32 v2, v1  }
0x55: {  	v5 =	vsel vm4, $0x5, v5;
	v1 =	vsel vm1, v2, v1;
	v2 =	vld [tilespmem:s24+$0x1680]  }
0x56: {  	v5 =	vsel vm5, $0x6, v5;
	vm2 =	vgt.f32 v3, v1  }
0x57: {  	v5 =	vsel vm6, $0x7, v5;
	v1 =	vsel vm2, v3, v1;
	v3 =	vld [tilespmem:s24+$0x1700]  }
0x58: {  	v5 =	vsel vm7, $0x8, v5;
	vm3 =	vgt.f32 v4, v1  }
0x59: {  	v5 =	vsel vm0, $0x9, v5;
	v1 =	vsel vm3, v4, v1;
	v4 =	vld [tilespmem:s24+$0x1780]  }
0x5a: {  	v5 =	vsel vm1, $0xA, v5;
	vm0 =	vgt.f32 v2, v1  }
0x5b: {  	v5 =	vsel vm2, $0xB, v5;
	v1 =	vsel vm0, v2, v1  }
0x5c: {  	v2 =	vsel vm3, $0xC, v5;
	vm1 =	vgt.f32 v3, v1  }
0x5d: {  	v2 =	vsel vm0, $0xD, v2;
	v1 =	vsel vm1, v3, v1  }
.Ltmp0:
0x5e: {  	v2 =	vsel vm1, $0xE, v2;
	vm0 =	vgt.f32 v4, v1;
	(pc) =	sbr.rel @p0 .LBB2_2-.Ltmp0, $4  }
0x5f: {  	s25 =	sadd.s32 $0x80, s25;
	s23 =	sadd.s32 $0x10, s23;
	v1 =	vsel vm0, v4, v1;
	v2 =	vsel vm0, $0xF, v2  }
0x60: {  	s22 =	sadd.s32 $0x10, s22;
	s28 =	sand.u32 $0x1C00, s25;
	s24 =	sand.u32 $0x70, s26;
	[tilespmem:s23+$0x0] =	vst v2  }
0x61: {  	s24 =	sor.u32 s24, s28;
	[tilespmem:s22+$0x0] =	vst v1  }
0x62: {  	s26 =	sadd.s32 $0x10, s26;
	v1 =	vld [tilespmem:s24+$0x80]  }
0x63: {  	v2 =	vld [tilespmem:s24+$0x0];
	_ =	sdelay $0x1  }
0x64: {  	v3 =	vld [tilespmem:s24+$0x100];
	_ =	sdelay $0x1  }
0x65: {  	v4 =	vld [tilespmem:s24+$0x180]  }
0x66: {  	vm0 =	vgt.f32 v1, v2  }
0x67: {  	v1 =	vsel vm0, v1, v2;
	v2 =	vld [tilespmem:s24+$0x200]  }
0x68: {  	vm1 =	vgt.f32 v3, v1  }
0x69: {  	v1 =	vsel vm1, v3, v1;
	v3 =	vld [tilespmem:s24+$0x280]  }
0x6a: {  	vm2 =	vgt.f32 v4, v1  }
0x6b: {  	v54 =	vld [tilespmem:s24+$0x300];
	v1 =	vsel vm2, v4, v1  }
0x6c: {  	vm3 =	vgt.f32 v2, v1  }
0x6d: {  	v1 =	vsel vm3, v2, v1;
	v2 =	vld [tilespmem:s24+$0x380]  }
0x6e: {  	vm4 =	vgt.f32 v3, v1  }
0x6f: {  	v1 =	vsel vm4, v3, v1;
	v3 =	vld [tilespmem:s24+$0x1400]  }
0x70: {  	vm5 =	vgt.f32 v54, v1  }
0x71: {  	v55 =	vld [tilespmem:s24+$0x1480];
	v1 =	vsel vm5, v54, v1  }
0x72: {  	vm6 =	vgt.f32 v2, v1  }
0x73: {  	v1 =	vsel vm6, v2, v1;
	v2 =	vld [tilespmem:s24+$0x1500]  }
0x74: {  	vm7 =	vgt.f32 v3, v1  }
0x75: {  	v5 =	vsel vm0, $0x1, v0;
	v1 =	vsel vm7, v3, v1;
	v3 =	vld [tilespmem:s24+$0x1580]  }
0x76: {  	v5 =	vsel vm1, $0x2, v5;
	vm12 =	vgt.f32 v55, v1  }
0x77: {  	v56 =	vld [tilespmem:s24+$0x1600];
	v5 =	vsel vm2, $0x3, v5;
	v1 =	vsel vm12, v55, v1  }
0x78: {  	v5 =	vsel vm3, $0x4, v5;
	vm13 =	vgt.f32 v2, v1  }
0x79: {  	v5 =	vsel vm4, $0x5, v5;
	v1 =	vsel vm13, v2, v1;
	v2 =	vld [tilespmem:s24+$0x1680]  }
0x7a: {  	v5 =	vsel vm5, $0x6, v5;
	vm14 =	vgt.f32 v3, v1  }
0x7b: {  	v5 =	vsel vm6, $0x7, v5;
	v1 =	vsel vm14, v3, v1;
	v3 =	vld [tilespmem:s24+$0x1700]  }
0x7c: {  	v5 =	vsel vm7, $0x8, v5;
	vm15 =	vgt.f32 v56, v1  }
0x7d: {  	v57 =	vld [tilespmem:s24+$0x1780];
	v5 =	vsel vm12, $0x9, v5;
	v1 =	vsel vm15, v56, v1  }
0x7e: {  	v5 =	vsel vm13, $0xA, v5;
	vm6 =	vgt.f32 v2, v1  }
0x7f: {  	v5 =	vsel vm14, $0xB, v5;
	v1 =	vsel vm6, v2, v1  }
0x80: {  	v2 =	vsel vm15, $0xC, v5;
	vm7 =	vgt.f32 v3, v1  }
0x81: {  	v2 =	vsel vm6, $0xD, v2;
	v1 =	vsel vm7, v3, v1  }
0x82: {  	v2 =	vsel vm7, $0xE, v2;
	vm8 =	vgt.f32 v57, v1  }
0x83: {  	s23 =	sadd.s32 $0x10, s23;
	v2 =	vsel vm8, $0xF, v2  }
0x84: {  	s22 =	sadd.s32 $0x10, s22;
	v1 =	vsel vm8, v57, v1;
	[tilespmem:s23+$0x0] =	vst v2  }
0x85: {  	[tilespmem:s22+$0x0] =	vst v1;
	s22 =	simm.s32 $0x2800  }
0x86: {  	[hbm4b:s4+s17] =	stream.strided.scatter [tilespmem:s22], [sflag:$0x1], $0x280, s18, s17, $0x38;
	[tilespmem:$0x2D00] =	vst v63  }
0x87: {  	_ =	swait.ge [sflag:s16], $0x280  }
0x88: {  	[sflag:s16] =	ssyncset.done $0x0  }
0x89: {  	s23 =	simm.s32 $0x2A80;
	[sflag:s16] =	ssyncadd.s32 $0xFFFFFD80  }
0x8a: {  	[hbm4b:s5+s17] =	stream.strided.scatter [tilespmem:s23], [sflag:$0x1], $0x280, s18, s17, $0x38;
	[tilespmem:$0x2D00] =	vst v63  }
0x8b: {  	_ =	swait.ge [sflag:s16], $0x280  }
0x8c: {  	[sflag:s16] =	ssyncset.done $0x0  }
0x8d: {  	s30 =	simm.s32 $0x0;
	[sflag:s16] =	ssyncadd.s32 $0xFFFFFD80  }
0x8e: {  	[tilespmem:s30], [sflag:$0x1] =	stream.linear.gather [hbm4b:s6+s30], $0x2800, $0x38;
	[tilespmem:$0x2D00] =	vst v63  }
0x8f: {  	_ =	swait.ge [sflag:s16], $0x2800  }
0x90: {  	s25 =	sand.u32 $0x70, s30;
	s24 =	sand.u32 $0x1C00, s30;
	[sflag:s16] =	ssyncset.done $0x0  }
0x91: {  	s24 =	sor.u32 s25, s24;
	[sflag:s16] =	ssyncadd.s32 $0xFFFFD800  }
0x92: {  	v1 =	vld [tilespmem:s24+$0x80]  }
0x93: {  	v2 =	vld [tilespmem:s24+$0x0];
	_ =	sdelay $0x1  }
0x94: {  	v3 =	vld [tilespmem:s24+$0x100];
	_ =	sdelay $0x1  }
0x95: {  	v58 =	vld [tilespmem:s24+$0x180]  }
0x96: {  	vm0 =	vgt.f32 v1, v2  }
0x97: {  	v1 =	vsel vm0, v1, v2;
	v2 =	vld [tilespmem:s24+$0x200]  }
0x98: {  	vm9 =	vgt.f32 v3, v1  }
0x99: {  	v1 =	vsel vm9, v3, v1;
	v3 =	vld [tilespmem:s24+$0x280]  }
0x9a: {  	vm10 =	vgt.f32 v58, v1  }
0x9b: {  	v59 =	vld [tilespmem:s24+$0x300];
	v1 =	vsel vm10, v58, v1  }
0x9c: {  	vm11 =	vgt.f32 v2, v1  }
0x9d: {  	v1 =	vsel vm11, v2, v1;
	v2 =	vld [tilespmem:s24+$0x380]  }
0x9e: {  	vm12 =	vgt.f32 v3, v1  }
0x9f: {  	v1 =	vsel vm12, v3, v1;
	v3 =	vld [tilespmem:s24+$0x1400]  }
0xa0: {  	vm13 =	vgt.f32 v59, v1  }
0xa1: {  	v60 =	vld [tilespmem:s24+$0x1480];
	v1 =	vsel vm13, v59, v1  }
0xa2: {  	vm14 =	vgt.f32 v2, v1  }
0xa3: {  	v1 =	vsel vm14, v2, v1;
	v2 =	vld [tilespmem:s24+$0x1500]  }
0xa4: {  	vm15 =	vgt.f32 v3, v1  }
0xa5: {  	v61 =	vsel vm0, $0x1, v0;
	v1 =	vsel vm15, v3, v1;
	v3 =	vld [tilespmem:s24+$0x1580]  }
0xa6: {  	v5 =	vsel vm9, $0x2, v61;
	vm9 =	vgt.f32 v60, v1  }
0xa7: {  	v62 =	vld [tilespmem:s24+$0x1600];
	v5 =	vsel vm10, $0x3, v5;
	v1 =	vsel vm9, v60, v1  }
0xa8: {  	v5 =	vsel vm11, $0x4, v5;
	vm10 =	vgt.f32 v2, v1  }
0xa9: {  	v5 =	vsel vm12, $0x5, v5;
	v1 =	vsel vm10, v2, v1;
	v2 =	vld [tilespmem:s24+$0x1680]  }
0xaa: {  	v5 =	vsel vm13, $0x6, v5;
	vm11 =	vgt.f32 v3, v1  }
0xab: {  	v5 =	vsel vm14, $0x7, v5;
	v1 =	vsel vm11, v3, v1;
	v3 =	vld [tilespmem:s24+$0x1700]  }
0xac: {  	v5 =	vsel vm15, $0x8, v5;
	vm12 =	vgt.f32 v62, v1  }
0xad: {  	v63 =	vld [tilespmem:s24+$0x1780];
	v5 =	vsel vm9, $0x9, v5;
	v1 =	vsel vm12, v62, v1  }
0xae: {  	v5 =	vsel vm10, $0xA, v5;
	vm13 =	vgt.f32 v2, v1  }
0xaf: {  	v5 =	vsel vm11, $0xB, v5;
	v1 =	vsel vm13, v2, v1  }
0xb0: {  	v2 =	vsel vm12, $0xC, v5;
	vm14 =	vgt.f32 v3, v1  }
0xb1: {  	v2 =	vsel vm13, $0xD, v2;
	v1 =	vsel vm14, v3, v1  }
0xb2: {  	v2 =	vsel vm14, $0xE, v2;
	vm15 =	vgt.f32 v63, v1  }
0xb3: {  	s31 =	simm.s32 $0x10;
	s25 =	simm.s32 $0x80;
	v2 =	vsel vm15, $0xF, v2  }
0xb4: {  	s26 =	sand.u32 $0x1C00, s25;
	s24 =	sand.u32 $0x70, s31;
	v1 =	vsel vm15, v63, v1;
	[tilespmem:s22+$0x0] =	vst v2  }
0xb5: {  	s24 =	sor.u32 s24, s26;
	[tilespmem:s23+$0x0] =	vst v1  }
0xb6: {  	s26 =	simm.s32 $0x20;
	v1 =	vld [tilespmem:s24+$0x80]  }
.LBB2_4:
0xb7: {  	p0 =	sne.s32 s26, $0x230;
	v2 =	vld [tilespmem:s24+$0x0];
	_ =	sdelay $0x1  }
0xb8: {  	v3 =	vld [tilespmem:s24+$0x100];
	_ =	sdelay $0x1  }
0xb9: {  	v4 =	vld [tilespmem:s24+$0x180]  }
0xba: {  	vm0 =	vgt.f32 v1, v2  }
0xbb: {  	v1 =	vsel vm0, v1, v2;
	v2 =	vld [tilespmem:s24+$0x200]  }
0xbc: {  	vm1 =	vgt.f32 v3, v1  }
0xbd: {  	v1 =	vsel vm1, v3, v1;
	v3 =	vld [tilespmem:s24+$0x280]  }
0xbe: {  	vm2 =	vgt.f32 v4, v1  }
0xbf: {  	v1 =	vsel vm2, v4, v1;
	v4 =	vld [tilespmem:s24+$0x300]  }
0xc0: {  	vm3 =	vgt.f32 v2, v1  }
0xc1: {  	v1 =	vsel vm3, v2, v1;
	v2 =	vld [tilespmem:s24+$0x380]  }
0xc2: {  	vm4 =	vgt.f32 v3, v1  }
0xc3: {  	v1 =	vsel vm4, v3, v1;
	v3 =	vld [tilespmem:s24+$0x1400]  }
0xc4: {  	vm5 =	vgt.f32 v4, v1  }
0xc5: {  	v1 =	vsel vm5, v4, v1;
	v4 =	vld [tilespmem:s24+$0x1480]  }
0xc6: {  	vm6 =	vgt.f32 v2, v1  }
0xc7: {  	v1 =	vsel vm6, v2, v1;
	v2 =	vld [tilespmem:s24+$0x1500]  }
0xc8: {  	vm7 =	vgt.f32 v3, v1  }
0xc9: {  	v5 =	vsel vm0, $0x1, v0;
	v1 =	vsel vm7, v3, v1;
	v3 =	vld [tilespmem:s24+$0x1580]  }
0xca: {  	v5 =	vsel vm1, $0x2, v5;
	vm0 =	vgt.f32 v4, v1  }
0xcb: {  	v5 =	vsel vm2, $0x3, v5;
	v1 =	vsel vm0, v4, v1;
	v4 =	vld [tilespmem:s24+$0x1600]  }
0xcc: {  	v5 =	vsel vm3, $0x4, v5;
	vm1 =	vgt.f32 v2, v1  }
0xcd: {  	v5 =	vsel vm4, $0x5, v5;
	v1 =	vsel vm1, v2, v1;
	v2 =	vld [tilespmem:s24+$0x1680]  }
0xce: {  	v5 =	vsel vm5, $0x6, v5;
	vm2 =	vgt.f32 v3, v1  }
0xcf: {  	v5 =	vsel vm6, $0x7, v5;
	v1 =	vsel vm2, v3, v1;
	v3 =	vld [tilespmem:s24+$0x1700]  }
0xd0: {  	v5 =	vsel vm7, $0x8, v5;
	vm3 =	vgt.f32 v4, v1  }
0xd1: {  	v5 =	vsel vm0, $0x9, v5;
	v1 =	vsel vm3, v4, v1;
	v4 =	vld [tilespmem:s24+$0x1780]  }
0xd2: {  	v5 =	vsel vm1, $0xA, v5;
	vm0 =	vgt.f32 v2, v1  }
0xd3: {  	v5 =	vsel vm2, $0xB, v5;
	v1 =	vsel vm0, v2, v1  }
0xd4: {  	v2 =	vsel vm3, $0xC, v5;
	vm1 =	vgt.f32 v3, v1  }
0xd5: {  	v2 =	vsel vm0, $0xD, v2;
	v1 =	vsel vm1, v3, v1  }
.Ltmp1:
0xd6: {  	v2 =	vsel vm1, $0xE, v2;
	vm0 =	vgt.f32 v4, v1;
	(pc) =	sbr.rel @p0 .LBB2_4-.Ltmp1, $4  }
0xd7: {  	s25 =	sadd.s32 $0x80, s25;
	s22 =	sadd.s32 $0x10, s22;
	v1 =	vsel vm0, v4, v1;
	v2 =	vsel vm0, $0xF, v2  }
0xd8: {  	s23 =	sadd.s32 $0x10, s23;
	s28 =	sand.u32 $0x1C00, s25;
	s24 =	sand.u32 $0x70, s26;
	[tilespmem:s22+$0x0] =	vst v2  }
0xd9: {  	s24 =	sor.u32 s24, s28;
	[tilespmem:s23+$0x0] =	vst v1  }
0xda: {  	s26 =	sadd.s32 $0x10, s26;
	v1 =	vld [tilespmem:s24+$0x80]  }
0xdb: {  	v2 =	vld [tilespmem:s24+$0x0];
	_ =	sdelay $0x1  }
0xdc: {  	v3 =	vld [tilespmem:s24+$0x100];
	_ =	sdelay $0x1  }
0xdd: {  	v4 =	vld [tilespmem:s24+$0x180]  }
0xde: {  	vm0 =	vgt.f32 v1, v2  }
0xdf: {  	v1 =	vsel vm0, v1, v2;
	v2 =	vld [tilespmem:s24+$0x200]  }
0xe0: {  	vm1 =	vgt.f32 v3, v1  }
0xe1: {  	v1 =	vsel vm1, v3, v1;
	v3 =	vld [tilespmem:s24+$0x280]  }
0xe2: {  	vm2 =	vgt.f32 v4, v1  }
0xe3: {  	v54 =	vld [tilespmem:s24+$0x300];
	v1 =	vsel vm2, v4, v1  }
0xe4: {  	vm3 =	vgt.f32 v2, v1  }
0xe5: {  	v1 =	vsel vm3, v2, v1;
	v2 =	vld [tilespmem:s24+$0x380]  }
0xe6: {  	vm4 =	vgt.f32 v3, v1  }
0xe7: {  	v1 =	vsel vm4, v3, v1;
	v3 =	vld [tilespmem:s24+$0x1400]  }
0xe8: {  	vm5 =	vgt.f32 v54, v1  }
0xe9: {  	v55 =	vld [tilespmem:s24+$0x1480];
	v1 =	vsel vm5, v54, v1  }
0xea: {  	vm6 =	vgt.f32 v2, v1  }
0xeb: {  	v1 =	vsel vm6, v2, v1;
	v2 =	vld [tilespmem:s24+$0x1500]  }
0xec: {  	vm7 =	vgt.f32 v3, v1  }
0xed: {  	v5 =	vsel vm0, $0x1, v0;
	v1 =	vsel vm7, v3, v1;
	v3 =	vld [tilespmem:s24+$0x1580]  }
0xee: {  	v5 =	vsel vm1, $0x2, v5;
	vm12 =	vgt.f32 v55, v1  }
0xef: {  	v56 =	vld [tilespmem:s24+$0x1600];
	v5 =	vsel vm2, $0x3, v5;
	v1 =	vsel vm12, v55, v1  }
0xf0: {  	v5 =	vsel vm3, $0x4, v5;
	vm13 =	vgt.f32 v2, v1  }
0xf1: {  	v5 =	vsel vm4, $0x5, v5;
	v1 =	vsel vm13, v2, v1;
	v2 =	vld [tilespmem:s24+$0x1680]  }
0xf2: {  	v5 =	vsel vm5, $0x6, v5;
	vm14 =	vgt.f32 v3, v1  }
0xf3: {  	v5 =	vsel vm6, $0x7, v5;
	v1 =	vsel vm14, v3, v1;
	v3 =	vld [tilespmem:s24+$0x1700]  }
0xf4: {  	v5 =	vsel vm7, $0x8, v5;
	vm15 =	vgt.f32 v56, v1  }
0xf5: {  	v57 =	vld [tilespmem:s24+$0x1780];
	v5 =	vsel vm12, $0x9, v5;
	v1 =	vsel vm15, v56, v1  }
0xf6: {  	v5 =	vsel vm13, $0xA, v5;
	vm6 =	vgt.f32 v2, v1  }
0xf7: {  	v5 =	vsel vm14, $0xB, v5;
	v1 =	vsel vm6, v2, v1  }
0xf8: {  	v2 =	vsel vm15, $0xC, v5;
	vm7 =	vgt.f32 v3, v1  }
0xf9: {  	v2 =	vsel vm6, $0xD, v2;
	v1 =	vsel vm7, v3, v1  }
0xfa: {  	v2 =	vsel vm7, $0xE, v2;
	vm8 =	vgt.f32 v57, v1  }
0xfb: {  	s22 =	sadd.s32 $0x10, s22;
	v2 =	vsel vm8, $0xF, v2  }
0xfc: {  	s29 =	sadd.s32 $0x10, s23;
	v1 =	vsel vm8, v57, v1;
	[tilespmem:s22+$0x0] =	vst v2  }
0xfd: {  	s22 =	simm.s32 $0x2800;
	[tilespmem:s29+$0x0] =	vst v1  }
0xfe: {  	[hbm4b:s7+s17] =	stream.strided.scatter [tilespmem:s22], [sflag:$0x1], $0x280, s18, s17, $0x38;
	[tilespmem:$0x2D00] =	vst v63  }
0xff: {  	_ =	swait.ge [sflag:s16], $0x280  }
0x100: {  	[sflag:s16] =	ssyncset.done $0x0  }
0x101: {  	s23 =	simm.s32 $0x2A80;
	[sflag:s16] =	ssyncadd.s32 $0xFFFFFD80  }
0x102: {  	[hbm4b:s8+s17] =	stream.strided.scatter [tilespmem:s23], [sflag:$0x1], $0x280, s18, s17, $0x38;
	[tilespmem:$0x2D00] =	vst v63  }
0x103: {  	_ =	swait.ge [sflag:s16], $0x280  }
0x104: {  	[sflag:s16] =	ssyncset.done $0x0  }
0x105: {  	s30 =	simm.s32 $0x0;
	[sflag:s16] =	ssyncadd.s32 $0xFFFFFD80  }
0x106: {  	[tilespmem:s30], [sflag:$0x1] =	stream.linear.gather [hbm4b:s9+s30], $0x2800, $0x38;
	[tilespmem:$0x2D00] =	vst v63  }
0x107: {  	_ =	swait.ge [sflag:s16], $0x2800  }
0x108: {  	s25 =	sand.u32 $0x70, s30;
	s24 =	sand.u32 $0x1C00, s30;
	[sflag:s16] =	ssyncset.done $0x0  }
0x109: {  	s24 =	sor.u32 s25, s24;
	[sflag:s16] =	ssyncadd.s32 $0xFFFFD800  }
0x10a: {  	v1 =	vld [tilespmem:s24+$0x80]  }
0x10b: {  	v2 =	vld [tilespmem:s24+$0x0];
	_ =	sdelay $0x1  }
0x10c: {  	v3 =	vld [tilespmem:s24+$0x100];
	_ =	sdelay $0x1  }
0x10d: {  	v58 =	vld [tilespmem:s24+$0x180]  }
0x10e: {  	vm0 =	vgt.f32 v1, v2  }
0x10f: {  	v1 =	vsel vm0, v1, v2;
	v2 =	vld [tilespmem:s24+$0x200]  }
0x110: {  	vm9 =	vgt.f32 v3, v1  }
0x111: {  	v1 =	vsel vm9, v3, v1;
	v3 =	vld [tilespmem:s24+$0x280]  }
0x112: {  	vm10 =	vgt.f32 v58, v1  }
0x113: {  	v59 =	vld [tilespmem:s24+$0x300];
	v1 =	vsel vm10, v58, v1  }
0x114: {  	vm11 =	vgt.f32 v2, v1  }
0x115: {  	v1 =	vsel vm11, v2, v1;
	v2 =	vld [tilespmem:s24+$0x380]  }
0x116: {  	vm12 =	vgt.f32 v3, v1  }
0x117: {  	v1 =	vsel vm12, v3, v1;
	v3 =	vld [tilespmem:s24+$0x1400]  }
0x118: {  	vm13 =	vgt.f32 v59, v1  }
0x119: {  	v60 =	vld [tilespmem:s24+$0x1480];
	v1 =	vsel vm13, v59, v1  }
0x11a: {  	vm14 =	vgt.f32 v2, v1  }
0x11b: {  	v1 =	vsel vm14, v2, v1;
	v2 =	vld [tilespmem:s24+$0x1500]  }
0x11c: {  	vm15 =	vgt.f32 v3, v1  }
0x11d: {  	v61 =	vsel vm0, $0x1, v0;
	v1 =	vsel vm15, v3, v1;
	v3 =	vld [tilespmem:s24+$0x1580]  }
0x11e: {  	v5 =	vsel vm9, $0x2, v61;
	vm9 =	vgt.f32 v60, v1  }
0x11f: {  	v62 =	vld [tilespmem:s24+$0x1600];
	v5 =	vsel vm10, $0x3, v5;
	v1 =	vsel vm9, v60, v1  }
0x120: {  	v5 =	vsel vm11, $0x4, v5;
	vm10 =	vgt.f32 v2, v1  }
0x121: {  	v5 =	vsel vm12, $0x5, v5;
	v1 =	vsel vm10, v2, v1;
	v2 =	vld [tilespmem:s24+$0x1680]  }
0x122: {  	v5 =	vsel vm13, $0x6, v5;
	vm11 =	vgt.f32 v3, v1  }
0x123: {  	v5 =	vsel vm14, $0x7, v5;
	v1 =	vsel vm11, v3, v1;
	v3 =	vld [tilespmem:s24+$0x1700]  }
0x124: {  	v5 =	vsel vm15, $0x8, v5;
	vm12 =	vgt.f32 v62, v1  }
0x125: {  	v63 =	vld [tilespmem:s24+$0x1780];
	v5 =	vsel vm9, $0x9, v5;
	v1 =	vsel vm12, v62, v1  }
0x126: {  	v5 =	vsel vm10, $0xA, v5;
	vm13 =	vgt.f32 v2, v1  }
0x127: {  	v5 =	vsel vm11, $0xB, v5;
	v1 =	vsel vm13, v2, v1  }
0x128: {  	v2 =	vsel vm12, $0xC, v5;
	vm14 =	vgt.f32 v3, v1  }
0x129: {  	v2 =	vsel vm13, $0xD, v2;
	v1 =	vsel vm14, v3, v1  }
0x12a: {  	v2 =	vsel vm14, $0xE, v2;
	vm15 =	vgt.f32 v63, v1  }
0x12b: {  	s31 =	simm.s32 $0x10;
	s25 =	simm.s32 $0x80;
	v2 =	vsel vm15, $0xF, v2  }
0x12c: {  	s26 =	sand.u32 $0x1C00, s25;
	s24 =	sand.u32 $0x70, s31;
	v1 =	vsel vm15, v63, v1;
	[tilespmem:s22+$0x0] =	vst v2  }
0x12d: {  	s24 =	sor.u32 s24, s26;
	[tilespmem:s23+$0x0] =	vst v1  }
0x12e: {  	s26 =	simm.s32 $0x20;
	v1 =	vld [tilespmem:s24+$0x80]  }
.LBB2_6:
0x12f: {  	p0 =	sne.s32 s26, $0x230;
	v2 =	vld [tilespmem:s24+$0x0];
	_ =	sdelay $0x1  }
0x130: {  	v3 =	vld [tilespmem:s24+$0x100];
	_ =	sdelay $0x1  }
0x131: {  	v4 =	vld [tilespmem:s24+$0x180]  }
0x132: {  	vm0 =	vgt.f32 v1, v2  }
0x133: {  	v1 =	vsel vm0, v1, v2;
	v2 =	vld [tilespmem:s24+$0x200]  }
0x134: {  	vm1 =	vgt.f32 v3, v1  }
0x135: {  	v1 =	vsel vm1, v3, v1;
	v3 =	vld [tilespmem:s24+$0x280]  }
0x136: {  	vm2 =	vgt.f32 v4, v1  }
0x137: {  	v1 =	vsel vm2, v4, v1;
	v4 =	vld [tilespmem:s24+$0x300]  }
0x138: {  	vm3 =	vgt.f32 v2, v1  }
0x139: {  	v1 =	vsel vm3, v2, v1;
	v2 =	vld [tilespmem:s24+$0x380]  }
0x13a: {  	vm4 =	vgt.f32 v3, v1  }
0x13b: {  	v1 =	vsel vm4, v3, v1;
	v3 =	vld [tilespmem:s24+$0x1400]  }
0x13c: {  	vm5 =	vgt.f32 v4, v1  }
0x13d: {  	v1 =	vsel vm5, v4, v1;
	v4 =	vld [tilespmem:s24+$0x1480]  }
0x13e: {  	vm6 =	vgt.f32 v2, v1  }
0x13f: {  	v1 =	vsel vm6, v2, v1;
	v2 =	vld [tilespmem:s24+$0x1500]  }
0x140: {  	vm7 =	vgt.f32 v3, v1  }
0x141: {  	v5 =	vsel vm0, $0x1, v0;
	v1 =	vsel vm7, v3, v1;
	v3 =	vld [tilespmem:s24+$0x1580]  }
0x142: {  	v5 =	vsel vm1, $0x2, v5;
	vm0 =	vgt.f32 v4, v1  }
0x143: {  	v5 =	vsel vm2, $0x3, v5;
	v1 =	vsel vm0, v4, v1;
	v4 =	vld [tilespmem:s24+$0x1600]  }
0x144: {  	v5 =	vsel vm3, $0x4, v5;
	vm1 =	vgt.f32 v2, v1  }
0x145: {  	v5 =	vsel vm4, $0x5, v5;
	v1 =	vsel vm1, v2, v1;
	v2 =	vld [tilespmem:s24+$0x1680]  }
0x146: {  	v5 =	vsel vm5, $0x6, v5;
	vm2 =	vgt.f32 v3, v1  }
0x147: {  	v5 =	vsel vm6, $0x7, v5;
	v1 =	vsel vm2, v3, v1;
	v3 =	vld [tilespmem:s24+$0x1700]  }
0x148: {  	v5 =	vsel vm7, $0x8, v5;
	vm3 =	vgt.f32 v4, v1  }
0x149: {  	v5 =	vsel vm0, $0x9, v5;
	v1 =	vsel vm3, v4, v1;
	v4 =	vld [tilespmem:s24+$0x1780]  }
0x14a: {  	v5 =	vsel vm1, $0xA, v5;
	vm0 =	vgt.f32 v2, v1  }
0x14b: {  	v5 =	vsel vm2, $0xB, v5;
	v1 =	vsel vm0, v2, v1  }
0x14c: {  	v2 =	vsel vm3, $0xC, v5;
	vm1 =	vgt.f32 v3, v1  }
0x14d: {  	v2 =	vsel vm0, $0xD, v2;
	v1 =	vsel vm1, v3, v1  }
.Ltmp2:
0x14e: {  	v2 =	vsel vm1, $0xE, v2;
	vm0 =	vgt.f32 v4, v1;
	(pc) =	sbr.rel @p0 .LBB2_6-.Ltmp2, $4  }
0x14f: {  	s25 =	sadd.s32 $0x80, s25;
	s22 =	sadd.s32 $0x10, s22;
	v1 =	vsel vm0, v4, v1;
	v2 =	vsel vm0, $0xF, v2  }
0x150: {  	s23 =	sadd.s32 $0x10, s23;
	s28 =	sand.u32 $0x1C00, s25;
	s24 =	sand.u32 $0x70, s26;
	[tilespmem:s22+$0x0] =	vst v2  }
0x151: {  	s24 =	sor.u32 s24, s28;
	[tilespmem:s23+$0x0] =	vst v1  }
0x152: {  	s26 =	sadd.s32 $0x10, s26;
	v1 =	vld [tilespmem:s24+$0x80]  }
0x153: {  	v2 =	vld [tilespmem:s24+$0x0];
	_ =	sdelay $0x1  }
0x154: {  	v3 =	vld [tilespmem:s24+$0x100];
	_ =	sdelay $0x1  }
0x155: {  	v4 =	vld [tilespmem:s24+$0x180]  }
0x156: {  	vm0 =	vgt.f32 v1, v2  }
0x157: {  	v1 =	vsel vm0, v1, v2;
	v2 =	vld [tilespmem:s24+$0x200]  }
0x158: {  	vm1 =	vgt.f32 v3, v1  }
0x159: {  	v1 =	vsel vm1, v3, v1;
	v3 =	vld [tilespmem:s24+$0x280]  }
0x15a: {  	vm2 =	vgt.f32 v4, v1  }
0x15b: {  	v54 =	vld [tilespmem:s24+$0x300];
	v1 =	vsel vm2, v4, v1  }
0x15c: {  	vm3 =	vgt.f32 v2, v1  }
0x15d: {  	v1 =	vsel vm3, v2, v1;
	v2 =	vld [tilespmem:s24+$0x380]  }
0x15e: {  	vm4 =	vgt.f32 v3, v1  }
0x15f: {  	v1 =	vsel vm4, v3, v1;
	v3 =	vld [tilespmem:s24+$0x1400]  }
0x160: {  	vm5 =	vgt.f32 v54, v1  }
0x161: {  	v55 =	vld [tilespmem:s24+$0x1480];
	v1 =	vsel vm5, v54, v1  }
0x162: {  	vm6 =	vgt.f32 v2, v1  }
0x163: {  	v1 =	vsel vm6, v2, v1;
	v2 =	vld [tilespmem:s24+$0x1500]  }
0x164: {  	vm7 =	vgt.f32 v3, v1  }
0x165: {  	v5 =	vsel vm0, $0x1, v0;
	v1 =	vsel vm7, v3, v1;
	v3 =	vld [tilespmem:s24+$0x1580]  }
0x166: {  	v5 =	vsel vm1, $0x2, v5;
	vm12 =	vgt.f32 v55, v1  }
0x167: {  	v56 =	vld [tilespmem:s24+$0x1600];
	v5 =	vsel vm2, $0x3, v5;
	v1 =	vsel vm12, v55, v1  }
0x168: {  	v5 =	vsel vm3, $0x4, v5;
	vm13 =	vgt.f32 v2, v1  }
0x169: {  	v5 =	vsel vm4, $0x5, v5;
	v1 =	vsel vm13, v2, v1;
	v2 =	vld [tilespmem:s24+$0x1680]  }
0x16a: {  	v5 =	vsel vm5, $0x6, v5;
	vm14 =	vgt.f32 v3, v1  }
0x16b: {  	v5 =	vsel vm6, $0x7, v5;
	v1 =	vsel vm14, v3, v1;
	v3 =	vld [tilespmem:s24+$0x1700]  }
0x16c: {  	v5 =	vsel vm7, $0x8, v5;
	vm15 =	vgt.f32 v56, v1  }
0x16d: {  	v57 =	vld [tilespmem:s24+$0x1780];
	v5 =	vsel vm12, $0x9, v5;
	v1 =	vsel vm15, v56, v1  }
0x16e: {  	v5 =	vsel vm13, $0xA, v5;
	vm6 =	vgt.f32 v2, v1  }
0x16f: {  	v5 =	vsel vm14, $0xB, v5;
	v1 =	vsel vm6, v2, v1  }
0x170: {  	v2 =	vsel vm15, $0xC, v5;
	vm7 =	vgt.f32 v3, v1  }
0x171: {  	v2 =	vsel vm6, $0xD, v2;
	v1 =	vsel vm7, v3, v1  }
0x172: {  	v2 =	vsel vm7, $0xE, v2;
	vm8 =	vgt.f32 v57, v1  }
0x173: {  	s22 =	sadd.s32 $0x10, s22;
	v2 =	vsel vm8, $0xF, v2  }
0x174: {  	s29 =	sadd.s32 $0x10, s23;
	v1 =	vsel vm8, v57, v1;
	[tilespmem:s22+$0x0] =	vst v2  }
0x175: {  	s22 =	simm.s32 $0x2800;
	[tilespmem:s29+$0x0] =	vst v1  }
0x176: {  	[hbm4b:s10+s17] =	stream.strided.scatter [tilespmem:s22], [sflag:$0x1], $0x280, s18, s17, $0x38;
	[tilespmem:$0x2D00] =	vst v63  }
0x177: {  	_ =	swait.ge [sflag:s16], $0x280  }
0x178: {  	[sflag:s16] =	ssyncset.done $0x0  }
0x179: {  	s23 =	simm.s32 $0x2A80;
	[sflag:s16] =	ssyncadd.s32 $0xFFFFFD80  }
0x17a: {  	[hbm4b:s11+s17] =	stream.strided.scatter [tilespmem:s23], [sflag:$0x1], $0x280, s18, s17, $0x38;
	[tilespmem:$0x2D00] =	vst v63  }
0x17b: {  	_ =	swait.ge [sflag:s16], $0x280  }
0x17c: {  	[sflag:s16] =	ssyncset.done $0x0  }
0x17d: {  	s30 =	simm.s32 $0x0;
	[sflag:s16] =	ssyncadd.s32 $0xFFFFFD80  }
0x17e: {  	[tilespmem:s30], [sflag:$0x1] =	stream.linear.gather [hbm4b:s12+s30], $0x2800, $0x38;
	[tilespmem:$0x2D00] =	vst v63  }
0x17f: {  	_ =	swait.ge [sflag:s16], $0x2800  }
0x180: {  	s25 =	sand.u32 $0x70, s30;
	s24 =	sand.u32 $0x1C00, s30;
	[sflag:s16] =	ssyncset.done $0x0  }
0x181: {  	s24 =	sor.u32 s25, s24;
	[sflag:s16] =	ssyncadd.s32 $0xFFFFD800  }
0x182: {  	v1 =	vld [tilespmem:s24+$0x80]  }
0x183: {  	v2 =	vld [tilespmem:s24+$0x0];
	_ =	sdelay $0x1  }
0x184: {  	v3 =	vld [tilespmem:s24+$0x100];
	_ =	sdelay $0x1  }
0x185: {  	v58 =	vld [tilespmem:s24+$0x180]  }
0x186: {  	vm0 =	vgt.f32 v1, v2  }
0x187: {  	v1 =	vsel vm0, v1, v2;
	v2 =	vld [tilespmem:s24+$0x200]  }
0x188: {  	vm9 =	vgt.f32 v3, v1  }
0x189: {  	v1 =	vsel vm9, v3, v1;
	v3 =	vld [tilespmem:s24+$0x280]  }
0x18a: {  	vm10 =	vgt.f32 v58, v1  }
0x18b: {  	v59 =	vld [tilespmem:s24+$0x300];
	v1 =	vsel vm10, v58, v1  }
0x18c: {  	vm11 =	vgt.f32 v2, v1  }
0x18d: {  	v1 =	vsel vm11, v2, v1;
	v2 =	vld [tilespmem:s24+$0x380]  }
0x18e: {  	vm12 =	vgt.f32 v3, v1  }
0x18f: {  	v1 =	vsel vm12, v3, v1;
	v3 =	vld [tilespmem:s24+$0x1400]  }
0x190: {  	vm13 =	vgt.f32 v59, v1  }
0x191: {  	v60 =	vld [tilespmem:s24+$0x1480];
	v1 =	vsel vm13, v59, v1  }
0x192: {  	vm14 =	vgt.f32 v2, v1  }
0x193: {  	v1 =	vsel vm14, v2, v1;
	v2 =	vld [tilespmem:s24+$0x1500]  }
0x194: {  	vm15 =	vgt.f32 v3, v1  }
0x195: {  	v61 =	vsel vm0, $0x1, v0;
	v1 =	vsel vm15, v3, v1;
	v3 =	vld [tilespmem:s24+$0x1580]  }
0x196: {  	v5 =	vsel vm9, $0x2, v61;
	vm9 =	vgt.f32 v60, v1  }
0x197: {  	v62 =	vld [tilespmem:s24+$0x1600];
	v5 =	vsel vm10, $0x3, v5;
	v1 =	vsel vm9, v60, v1  }
0x198: {  	v5 =	vsel vm11, $0x4, v5;
	vm10 =	vgt.f32 v2, v1  }
0x199: {  	v5 =	vsel vm12, $0x5, v5;
	v1 =	vsel vm10, v2, v1;
	v2 =	vld [tilespmem:s24+$0x1680]  }
0x19a: {  	v5 =	vsel vm13, $0x6, v5;
	vm11 =	vgt.f32 v3, v1  }
0x19b: {  	v5 =	vsel vm14, $0x7, v5;
	v1 =	vsel vm11, v3, v1;
	v3 =	vld [tilespmem:s24+$0x1700]  }
0x19c: {  	v5 =	vsel vm15, $0x8, v5;
	vm12 =	vgt.f32 v62, v1  }
0x19d: {  	v63 =	vld [tilespmem:s24+$0x1780];
	v5 =	vsel vm9, $0x9, v5;
	v1 =	vsel vm12, v62, v1  }
0x19e: {  	v5 =	vsel vm10, $0xA, v5;
	vm13 =	vgt.f32 v2, v1  }
0x19f: {  	v5 =	vsel vm11, $0xB, v5;
	v1 =	vsel vm13, v2, v1  }
0x1a0: {  	v2 =	vsel vm12, $0xC, v5;
	vm14 =	vgt.f32 v3, v1  }
0x1a1: {  	v2 =	vsel vm13, $0xD, v2;
	v1 =	vsel vm14, v3, v1  }
0x1a2: {  	v2 =	vsel vm14, $0xE, v2;
	vm15 =	vgt.f32 v63, v1  }
0x1a3: {  	s31 =	simm.s32 $0x10;
	s25 =	simm.s32 $0x80;
	v2 =	vsel vm15, $0xF, v2  }
0x1a4: {  	s26 =	sand.u32 $0x1C00, s25;
	s24 =	sand.u32 $0x70, s31;
	v1 =	vsel vm15, v63, v1;
	[tilespmem:s22+$0x0] =	vst v2  }
0x1a5: {  	s24 =	sor.u32 s24, s26;
	[tilespmem:s23+$0x0] =	vst v1  }
0x1a6: {  	s26 =	simm.s32 $0x20;
	v1 =	vld [tilespmem:s24+$0x80]  }
.LBB2_8:
0x1a7: {  	p0 =	sne.s32 s26, $0x230;
	v2 =	vld [tilespmem:s24+$0x0];
	_ =	sdelay $0x1  }
0x1a8: {  	v3 =	vld [tilespmem:s24+$0x100];
	_ =	sdelay $0x1  }
0x1a9: {  	v4 =	vld [tilespmem:s24+$0x180]  }
0x1aa: {  	vm0 =	vgt.f32 v1, v2  }
0x1ab: {  	v1 =	vsel vm0, v1, v2;
	v2 =	vld [tilespmem:s24+$0x200]  }
0x1ac: {  	vm1 =	vgt.f32 v3, v1  }
0x1ad: {  	v1 =	vsel vm1, v3, v1;
	v3 =	vld [tilespmem:s24+$0x280]  }
0x1ae: {  	vm2 =	vgt.f32 v4, v1  }
0x1af: {  	v1 =	vsel vm2, v4, v1;
	v4 =	vld [tilespmem:s24+$0x300]  }
0x1b0: {  	vm3 =	vgt.f32 v2, v1  }
0x1b1: {  	v1 =	vsel vm3, v2, v1;
	v2 =	vld [tilespmem:s24+$0x380]  }
0x1b2: {  	vm4 =	vgt.f32 v3, v1  }
0x1b3: {  	v1 =	vsel vm4, v3, v1;
	v3 =	vld [tilespmem:s24+$0x1400]  }
0x1b4: {  	vm5 =	vgt.f32 v4, v1  }
0x1b5: {  	v1 =	vsel vm5, v4, v1;
	v4 =	vld [tilespmem:s24+$0x1480]  }
0x1b6: {  	vm6 =	vgt.f32 v2, v1  }
0x1b7: {  	v1 =	vsel vm6, v2, v1;
	v2 =	vld [tilespmem:s24+$0x1500]  }
0x1b8: {  	vm7 =	vgt.f32 v3, v1  }
0x1b9: {  	v5 =	vsel vm0, $0x1, v0;
	v1 =	vsel vm7, v3, v1;
	v3 =	vld [tilespmem:s24+$0x1580]  }
0x1ba: {  	v5 =	vsel vm1, $0x2, v5;
	vm0 =	vgt.f32 v4, v1  }
0x1bb: {  	v5 =	vsel vm2, $0x3, v5;
	v1 =	vsel vm0, v4, v1;
	v4 =	vld [tilespmem:s24+$0x1600]  }
0x1bc: {  	v5 =	vsel vm3, $0x4, v5;
	vm1 =	vgt.f32 v2, v1  }
0x1bd: {  	v5 =	vsel vm4, $0x5, v5;
	v1 =	vsel vm1, v2, v1;
	v2 =	vld [tilespmem:s24+$0x1680]  }
0x1be: {  	v5 =	vsel vm5, $0x6, v5;
	vm2 =	vgt.f32 v3, v1  }
0x1bf: {  	v5 =	vsel vm6, $0x7, v5;
	v1 =	vsel vm2, v3, v1;
	v3 =	vld [tilespmem:s24+$0x1700]  }
0x1c0: {  	v5 =	vsel vm7, $0x8, v5;
	vm3 =	vgt.f32 v4, v1  }
0x1c1: {  	v5 =	vsel vm0, $0x9, v5;
	v1 =	vsel vm3, v4, v1;
	v4 =	vld [tilespmem:s24+$0x1780]  }
0x1c2: {  	v5 =	vsel vm1, $0xA, v5;
	vm0 =	vgt.f32 v2, v1  }
0x1c3: {  	v5 =	vsel vm2, $0xB, v5;
	v1 =	vsel vm0, v2, v1  }
0x1c4: {  	v2 =	vsel vm3, $0xC, v5;
	vm1 =	vgt.f32 v3, v1  }
0x1c5: {  	v2 =	vsel vm0, $0xD, v2;
	v1 =	vsel vm1, v3, v1  }
.Ltmp3:
0x1c6: {  	v2 =	vsel vm1, $0xE, v2;
	vm0 =	vgt.f32 v4, v1;
	(pc) =	sbr.rel @p0 .LBB2_8-.Ltmp3, $4  }
0x1c7: {  	s25 =	sadd.s32 $0x80, s25;
	s22 =	sadd.s32 $0x10, s22;
	v1 =	vsel vm0, v4, v1;
	v2 =	vsel vm0, $0xF, v2  }
0x1c8: {  	s23 =	sadd.s32 $0x10, s23;
	s28 =	sand.u32 $0x1C00, s25;
	s24 =	sand.u32 $0x70, s26;
	[tilespmem:s22+$0x0] =	vst v2  }
0x1c9: {  	s24 =	sor.u32 s24, s28;
	[tilespmem:s23+$0x0] =	vst v1  }
0x1ca: {  	s26 =	sadd.s32 $0x10, s26;
	v1 =	vld [tilespmem:s24+$0x80]  }
0x1cb: {  	v2 =	vld [tilespmem:s24+$0x0];
	_ =	sdelay $0x1  }
0x1cc: {  	v3 =	vld [tilespmem:s24+$0x100];
	_ =	sdelay $0x1  }
0x1cd: {  	v4 =	vld [tilespmem:s24+$0x180]  }
0x1ce: {  	vm0 =	vgt.f32 v1, v2  }
0x1cf: {  	v1 =	vsel vm0, v1, v2;
	v2 =	vld [tilespmem:s24+$0x200]  }
0x1d0: {  	vm1 =	vgt.f32 v3, v1  }
0x1d1: {  	v1 =	vsel vm1, v3, v1;
	v3 =	vld [tilespmem:s24+$0x280]  }
0x1d2: {  	vm2 =	vgt.f32 v4, v1  }
0x1d3: {  	v60 =	vld [tilespmem:s24+$0x300];
	v1 =	vsel vm2, v4, v1  }
0x1d4: {  	vm3 =	vgt.f32 v2, v1  }
0x1d5: {  	v1 =	vsel vm3, v2, v1;
	v2 =	vld [tilespmem:s24+$0x380]  }
0x1d6: {  	vm4 =	vgt.f32 v3, v1  }
0x1d7: {  	v1 =	vsel vm4, v3, v1;
	v3 =	vld [tilespmem:s24+$0x1400]  }
0x1d8: {  	vm5 =	vgt.f32 v60, v1  }
0x1d9: {  	v61 =	vld [tilespmem:s24+$0x1480];
	v1 =	vsel vm5, v60, v1  }
0x1da: {  	vm6 =	vgt.f32 v2, v1  }
0x1db: {  	v1 =	vsel vm6, v2, v1;
	v2 =	vld [tilespmem:s24+$0x1500]  }
0x1dc: {  	vm7 =	vgt.f32 v3, v1  }
0x1dd: {  	v5 =	vsel vm0, $0x1, v0;
	v1 =	vsel vm7, v3, v1;
	v3 =	vld [tilespmem:s24+$0x1580]  }
0x1de: {  	v5 =	vsel vm1, $0x2, v5;
	vm9 =	vgt.f32 v61, v1  }
0x1df: {  	v62 =	vld [tilespmem:s24+$0x1600];
	v5 =	vsel vm2, $0x3, v5;
	v1 =	vsel vm9, v61, v1  }
0x1e0: {  	v5 =	vsel vm3, $0x4, v5;
	vm10 =	vgt.f32 v2, v1  }
0x1e1: {  	v5 =	vsel vm4, $0x5, v5;
	v1 =	vsel vm10, v2, v1;
	v2 =	vld [tilespmem:s24+$0x1680]  }
0x1e2: {  	v5 =	vsel vm5, $0x6, v5;
	vm11 =	vgt.f32 v3, v1  }
0x1e3: {  	v5 =	vsel vm6, $0x7, v5;
	v1 =	vsel vm11, v3, v1;
	v3 =	vld [tilespmem:s24+$0x1700]  }
0x1e4: {  	v5 =	vsel vm7, $0x8, v5;
	vm12 =	vgt.f32 v62, v1  }
0x1e5: {  	v63 =	vld [tilespmem:s24+$0x1780];
	v5 =	vsel vm9, $0x9, v5;
	v1 =	vsel vm12, v62, v1  }
0x1e6: {  	v5 =	vsel vm10, $0xA, v5;
	vm13 =	vgt.f32 v2, v1  }
0x1e7: {  	v5 =	vsel vm11, $0xB, v5;
	v1 =	vsel vm13, v2, v1  }
0x1e8: {  	v2 =	vsel vm12, $0xC, v5;
	vm14 =	vgt.f32 v3, v1  }
0x1e9: {  	v2 =	vsel vm13, $0xD, v2;
	v1 =	vsel vm14, v3, v1  }
0x1ea: {  	v2 =	vsel vm14, $0xE, v2;
	vm15 =	vgt.f32 v63, v1  }
0x1eb: {  	s22 =	sadd.s32 $0x10, s22;
	v2 =	vsel vm15, $0xF, v2  }
0x1ec: {  	s31 =	sadd.s32 $0x10, s23;
	v1 =	vsel vm15, v63, v1;
	[tilespmem:s22+$0x0] =	vst v2  }
0x1ed: {  	[tilespmem:s31+$0x0] =	vst v1  }
0x1ee: {  	[hbm4b:s13+s17] =	stream.strided.scatter [tilespmem:s19], [sflag:$0x1], $0x280, s18, s17, $0x38;
	[tilespmem:$0x2D00] =	vst v63  }
0x1ef: {  	s21 =	sadd.s32 $0x1, s21;
	_ =	swait.ge [sflag:s16], $0x280  }
0x1f0: {  	p0 =	sne.s32 s21, s15;
	[sflag:s16] =	ssyncset.done $0x0  }
.Ltmp4:
0x1f1: {  	[sflag:s16] =	ssyncadd.s32 $0xFFFFFD80;
	(pc) =	sbr.rel @p0 .LBB2_1-.Ltmp4, $4  }
0x1f2: {  	[hbm4b:s14+s17] =	stream.strided.scatter [tilespmem:s20], [sflag:$0x1], $0x280, s18, s17, $0x38;
	[tilespmem:$0x2D00] =	vst v63  }
0x1f3: {  	_ =	swait.ge [sflag:s16], $0x280  }
0x1f4: {  	[sflag:s16] =	ssyncset.done $0x0  }
0x1f5: {  	[sflag:s16] =	ssyncadd.s32 $0xFFFFFD80  }
0x1f6: {  	_ =	sfence.sel $0x180000  }
0x1f7: {  	[bflag:$0x0] =	sbarrier.arrive $0xFFFF  }
0x1f8: {  	p0 =	sne.s32 s2, $0x0;
	_ =	strace $0x90000047  }
0x1f9: {  	s0 =	sadd.s32 @!p0 $0x100000, s0;
	[bflag:$0x2] =	sbarrier.arrive $0xFFFF  }
0x1fa: {  	[sflag:s0] =	ssyncadd.tile.s32 @!p0 $0x1;
	_ =	shalt  }
.Lfunc_end2:
_tile_overlayer_lowered:
.L_overlay_start_2:
0x1fb: {  	(tag) =	ssettag $0x2  }
0x1fc: {  	s0 =	rddreg [dreg:$0x0];
	s2 =	stileid.u32  }
0x1fd: {  	s1 =	rddreg [dreg:$0x1];
	p0 =	sne.s32 s2, $0x0  }
0x1fe: {  	s3 =	rddreg [dreg:$0x2];
	[bflag:$0x3] =	sbarrier.arrive $0xFFFF;
	s2 =	simm.s32 @!p0 $0x1C01  }
0x1ff: {  	[timem:s3], [sflag:s2] =	dma.local @!p0 [hbm:s0], s1  }
0x200: {  	s0 =	simm.s32 @!p0 $0x1  }
0x201: {  	_ =	swait.ge @!p0 [sflag:s0], s1  }
0x202: {  	s1 =	ssub.s32 @!p0 $0x0, s1;
	[sflag:s0] =	ssyncset.done @!p0 $0x0  }
0x203: {  	[sflag:s0] =	ssyncadd.s32 @!p0 s1  }
0x204: {  	[bflag:$0x3] =	sbarrier.arrive $0xFFFF  }
0x205: {  	_ =	shalt  }

</sc_bundles>
